<compile_context>
chip_gen: v7x
topology: tpu7x:2x2x1
jax: 0.10.2.dev20260603
libtpu: 0.0.44.dev20260713+nightly
codegen_flags: <defaults>
</compile_context>

<pallas_src>
import functools

import jax
import jax.numpy as jnp
from jax import lax
from jax.experimental import pallas as pl
from jax.experimental.pallas import tpu as pltpu
from jax.experimental.pallas import tpu_sc as plsc

NUM_CHUNKS = 320000
NUM_CELLS = 10000
DIM = 128

NC = 2
NS = 16
NW = NC * NS

CPW = NUM_CHUNKS // NW
IDXW = 80
NITER = CPW // IDXW
NCP = 10240
WB = NCP // NS
NVEC = IDXW // 16
NBUF = 3


def _sc_partials(chunk_features, ids1):
    mesh = plsc.VectorSubcoreMesh(core_axis_name="c", subcore_axis_name="s")

    @functools.partial(
        pl.kernel,
        out_type=(
            jax.ShapeDtypeStruct((NC, NCP, DIM), jnp.float32),
            jax.ShapeDtypeStruct((NW, 1, NCP), jnp.float32),
        ),
        mesh=mesh,
        compiler_params=pltpu.CompilerParams(needs_layout_passes=False),
        scratch_types=[
            pltpu.VMEM((NBUF, IDXW, DIM), jnp.float32),
            pltpu.VMEM((NBUF, IDXW), jnp.int32),
            pltpu.VMEM((NCP,), jnp.float32),
            pltpu.VMEM_SHARED((NCP, DIM), jnp.float32),
            pltpu.SemaphoreType.DMA((NBUF,)),
            pltpu.SemaphoreType.DMA((NBUF,)),
            pltpu.SemaphoreType.DMA((NBUF,)),
            pltpu.SemaphoreType.DMA,
        ],
    )
    def k(cf_hbm, ids_hbm,
          outs_hbm, outc_hbm, rows_v, idb_v, cnt_v, acc_sh,
          sem_rows, sem_ids, sem_sc, sem_z):
        c = lax.axis_index("c")
        s = lax.axis_index("s")
        wid = s * NC + c
        base = wid * CPW

        def start_in(i, b):
            pltpu.async_copy(cf_hbm.at[pl.ds(base + i * IDXW, IDXW)],
                             rows_v.at[b], sem_rows.at[b])
            pltpu.async_copy(ids_hbm.at[pl.ds(base + i * IDXW, IDXW)],
                             idb_v.at[b], sem_ids.at[b])

        def wait_in(i, b):
            pltpu.make_async_copy(cf_hbm.at[pl.ds(base + i * IDXW, IDXW)],
                                  rows_v.at[b], sem_rows.at[b]).wait()
            pltpu.make_async_copy(ids_hbm.at[pl.ds(base + i * IDXW, IDXW)],
                                  idb_v.at[b], sem_ids.at[b]).wait()

        zeros16 = jnp.zeros((16,), jnp.float32)

        @pl.loop(0, IDXW)
        def _(j):
            for kk in range(DIM // 16):
                rows_v[2, j, pl.ds(kk * 16, 16)] = zeros16

        for p in range(WB // IDXW):
            pltpu.async_copy(rows_v.at[2],
                             acc_sh.at[pl.ds(s * WB + p * IDXW, IDXW)],
                             sem_z)
        start_in(0, 0)
        start_in(1, 1)

        @pl.loop(0, NCP // 16)
        def _(j):
            cnt_v[pl.ds(j * 16, 16)] = zeros16

        for p in range(WB // IDXW):
            pltpu.make_async_copy(rows_v.at[2],
                                  acc_sh.at[pl.ds(s * WB + p * IDXW, IDXW)],
                                  sem_z).wait()
        plsc.subcore_barrier()

        ones16 = jnp.ones((16,), jnp.float32)

        def wait_sc(b):
            pltpu.make_async_copy(rows_v.at[b], acc_sh.at[idb_v.at[b]],
                                  sem_sc.at[b]).wait()

        @pl.loop(0, NITER)
        def _(i):
            b = lax.rem(i, NBUF)

            @pl.when(i >= 1)
            def _():
                wait_sc(lax.rem(i - 1, NBUF))

            @pl.when(i + 2 < NITER)
            def _():
                start_in(i + 2, lax.rem(i + 2, NBUF))

            wait_in(i, b)
            pltpu.async_copy(rows_v.at[b], acc_sh.at[idb_v.at[b]],
                             sem_sc.at[b], add=True)
            for kk in range(NVEC):
                idv = idb_v[b, pl.ds(kk * 16, 16)]
                plsc.addupdate_scatter(cnt_v, [idv], ones16)

        wait_sc((NITER - 1) % NBUF)
        plsc.subcore_barrier()

        pltpu.sync_copy(acc_sh.at[pl.ds(s * WB, WB)],
                        outs_hbm.at[c, pl.ds(s * WB, WB)])
        pltpu.sync_copy(cnt_v, outc_hbm.at[wid, 0])

    return k(chunk_features, ids1)


def _merge_body(s_ref, c_ref, o_ref):
    sums = s_ref[0] + s_ref[1]
    cnt = jnp.sum(c_ref[:, 0, :], axis=0)
    o_ref[...] = sums / jnp.maximum(cnt, 1.0)[:, None]


_MERGE_ROWS = 2048


def _merge(sums, counts):
    grid = (NUM_CELLS + _MERGE_ROWS - 1) // _MERGE_ROWS
    return pl.pallas_call(
        _merge_body,
        grid=(grid,),
        in_specs=[
            pl.BlockSpec((NC, _MERGE_ROWS, DIM), lambda i: (0, i, 0)),
            pl.BlockSpec((NW, 1, _MERGE_ROWS), lambda i: (0, 0, i)),
        ],
        out_specs=pl.BlockSpec((_MERGE_ROWS, DIM), lambda i: (i, 0)),
        out_shape=jax.ShapeDtypeStruct((NUM_CELLS, DIM), jnp.float32),
    )(sums, counts)


def kernel(chunk_features, segment_ids):
    ids1 = segment_ids.astype(jnp.int32)
    sums, counts = _sc_partials(chunk_features, ids1)
    return _merge(sums, counts)

# --- scband reference (transcript-rebuilt; emitter-appended) ---
"""Pipeline reference for scband-cell-encoder-27711128994328 (READ-ONLY COPY).

The authoritative reference and input builder live on the scoring server;
editing this copy changes nothing except your own understanding.
"""

import jax, jax.numpy as jnp
import numpy as np

NUM_CHUNKS = 320000
NUM_CELLS = 10000
DIM = 128

def setup_inputs(seed: int = 0) -> dict:
    key = jax.random.key(seed)
    k1, k2 = jax.random.split(key)
    chunk_features = jax.random.normal(k1, (NUM_CHUNKS, DIM), dtype=jnp.float32)
    segment_ids = jnp.sort(jax.random.randint(k2, (NUM_CHUNKS,), 0, NUM_CELLS, dtype=jnp.int64))
    return {"chunk_features": chunk_features, "segment_ids": segment_ids}

def reference(chunk_features, segment_ids):
    # CellEncoder with aggregation='mean': per-cell mean of chunk embeddings.
    # The Python loop over cells with chunk_features[indices].mean(0) is exactly a
    # segment-mean where segment_ids[i] = cell index owning chunk i.
    sums = jax.ops.segment_sum(chunk_features, segment_ids, num_segments=NUM_CELLS)
    counts = jax.ops.segment_sum(
        jnp.ones((chunk_features.shape[0],), dtype=chunk_features.dtype),
        segment_ids, num_segments=NUM_CELLS)
    cell_embeddings = sums / jnp.maximum(counts, 1.0)[:, None]
    # projection: input_dim == output_dim -> nn.Identity()
    return cell_embeddings

if __name__ == "__main__":
    import jax
    _d = setup_inputs()
    print(jax.jit(kernel)(*tuple(_d.values())))

</pallas_src>

<mosaic_0001>
#map = affine_map<(d0, d1) -> (0, 0)>
#map1 = affine_map<(d0, d1) -> (0)>
#map2 = affine_map<(d0, d1) -> (0, 0, 0)>
module attributes {stable_mosaic.version = 14 : i64} {
  func.func @k(%arg0: i32, %arg1: i32, %arg2: memref<320000x128xf32, #tpu.memory_space<hbm>>, %arg3: memref<320000xi32, #tpu.memory_space<hbm>>, %arg4: memref<2x10240x128xf32, #tpu.memory_space<hbm>>, %arg5: memref<32x1x10240xf32, #tpu.memory_space<hbm>>, %arg6: memref<3x80x128xf32, #tpu.memory_space<vmem>>, %arg7: memref<3x80xi32, #tpu.memory_space<vmem>>, %arg8: memref<10240xf32, #tpu.memory_space<vmem>>, %arg9: memref<10240x128xf32, #tpu.memory_space<vmem_shared>>, %arg10: memref<3x!tpu.dma_semaphore, #tpu.memory_space<semaphore_mem>>, %arg11: memref<3x!tpu.dma_semaphore, #tpu.memory_space<semaphore_mem>>, %arg12: memref<3x!tpu.dma_semaphore, #tpu.memory_space<semaphore_mem>>, %arg13: memref<!tpu.dma_semaphore, #tpu.memory_space<semaphore_mem>>) attributes {dimension_semantics = [#tpu.dimension_semantics<core_parallel>, #tpu.dimension_semantics<subcore_parallel>], iteration_bounds = array<i64: 2, 16>, scalar_prefetch = 0 : i64, scratch_operands = 8 : i64, tpu.core_type = #tpu.core_type<sc_vector_subcore>, window_params = [{transform_indices = #map}, {transform_indices = #map1}, {transform_indices = #map2}, {transform_indices = #map2}]} {
    %mul3A = arith.constant 2 : i32
    %mul3A_0 = arith.muli %arg1, %mul3A : i32
    %add3A = arith.addi %mul3A_0, %arg0 : i32
    %mul3A_1 = arith.constant 10000 : i32
    %mul3A_2 = arith.muli %add3A, %mul3A_1 : i32
    %broadcast_in_dim3A = arith.constant 0.000000e+00 : f32
    %broadcast_in_dim3A_3 = vector.broadcast %broadcast_in_dim3A : f32 to vector<16xf32>
    %scan3A = arith.constant 0 : i32
    %scan3A_4 = arith.constant 80 : i32
    %scan3A_5 = arith.addi %scan3A, %scan3A_4 : i32
    %scan3A_6 = arith.constant 1 : i32
    scf.for %scan3A_374 = %scan3A to %scan3A_5 step %scan3A_6  : i32 {
      %mul3A_375 = arith.constant 1 : i32
      %mul3A_376 = arith.muli %scan3A_374, %mul3A_375 : i32
      %add3A_377 = arith.constant 0 : i32
      %add3A_378 = arith.addi %add3A_377, %mul3A_376 : i32
      %swap3A = arith.constant 2 : i32
      %swap3A_379 = arith.index_cast %swap3A : i32 to index
      %swap3A_380 = arith.index_cast %add3A_378 : i32 to index
      %swap3A_381 = arith.constant 0 : index
      %swap3A_382 = tpu.vector_load %arg6[%swap3A_379, %swap3A_380, %swap3A_381] {strides = array<i32>} : memref<3x80x128xf32, #tpu.memory_space<vmem>>, vector<16xf32>,
      tpu.vector_store %arg6[%swap3A_379, %swap3A_380, %swap3A_381], %broadcast_in_dim3A_3 {strides = array<i32>} : memref<3x80x128xf32, #tpu.memory_space<vmem>>, vector<16xf32>,
      %swap3A_383 = arith.constant 2 : i32
      %swap3A_384 = arith.index_cast %swap3A_383 : i32 to index
      %swap3A_385 = arith.index_cast %add3A_378 : i32 to index
      %swap3A_386 = arith.constant 16 : index
      %swap3A_387 = tpu.vector_load %arg6[%swap3A_384, %swap3A_385, %swap3A_386] {strides = array<i32>} : memref<3x80x128xf32, #tpu.memory_space<vmem>>, vector<16xf32>,
      tpu.vector_store %arg6[%swap3A_384, %swap3A_385, %swap3A_386], %broadcast_in_dim3A_3 {strides = array<i32>} : memref<3x80x128xf32, #tpu.memory_space<vmem>>, vector<16xf32>,
      %swap3A_388 = arith.constant 2 : i32
      %swap3A_389 = arith.index_cast %swap3A_388 : i32 to index
      %swap3A_390 = arith.index_cast %add3A_378 : i32 to index
      %swap3A_391 = arith.constant 32 : index
      %swap3A_392 = tpu.vector_load %arg6[%swap3A_389, %swap3A_390, %swap3A_391] {strides = array<i32>} : memref<3x80x128xf32, #tpu.memory_space<vmem>>, vector<16xf32>,
      tpu.vector_store %arg6[%swap3A_389, %swap3A_390, %swap3A_391], %broadcast_in_dim3A_3 {strides = array<i32>} : memref<3x80x128xf32, #tpu.memory_space<vmem>>, vector<16xf32>,
      %swap3A_393 = arith.constant 2 : i32
      %swap3A_394 = arith.index_cast %swap3A_393 : i32 to index
      %swap3A_395 = arith.index_cast %add3A_378 : i32 to index
      %swap3A_396 = arith.constant 48 : index
      %swap3A_397 = tpu.vector_load %arg6[%swap3A_394, %swap3A_395, %swap3A_396] {strides = array<i32>} : memref<3x80x128xf32, #tpu.memory_space<vmem>>, vector<16xf32>,
      tpu.vector_store %arg6[%swap3A_394, %swap3A_395, %swap3A_396], %broadcast_in_dim3A_3 {strides = array<i32>} : memref<3x80x128xf32, #tpu.memory_space<vmem>>, vector<16xf32>,
      %swap3A_398 = arith.constant 2 : i32
      %swap3A_399 = arith.index_cast %swap3A_398 : i32 to index
      %swap3A_400 = arith.index_cast %add3A_378 : i32 to index
      %swap3A_401 = arith.constant 64 : index
      %swap3A_402 = tpu.vector_load %arg6[%swap3A_399, %swap3A_400, %swap3A_401] {strides = array<i32>} : memref<3x80x128xf32, #tpu.memory_space<vmem>>, vector<16xf32>,
      tpu.vector_store %arg6[%swap3A_399, %swap3A_400, %swap3A_401], %broadcast_in_dim3A_3 {strides = array<i32>} : memref<3x80x128xf32, #tpu.memory_space<vmem>>, vector<16xf32>,
      %swap3A_403 = arith.constant 2 : i32
      %swap3A_404 = arith.index_cast %swap3A_403 : i32 to index
      %swap3A_405 = arith.index_cast %add3A_378 : i32 to index
      %swap3A_406 = arith.constant 80 : index
      %swap3A_407 = tpu.vector_load %arg6[%swap3A_404, %swap3A_405, %swap3A_406] {strides = array<i32>} : memref<3x80x128xf32, #tpu.memory_space<vmem>>, vector<16xf32>,
      tpu.vector_store %arg6[%swap3A_404, %swap3A_405, %swap3A_406], %broadcast_in_dim3A_3 {strides = array<i32>} : memref<3x80x128xf32, #tpu.memory_space<vmem>>, vector<16xf32>,
      %swap3A_408 = arith.constant 2 : i32
      %swap3A_409 = arith.index_cast %swap3A_408 : i32 to index
      %swap3A_410 = arith.index_cast %add3A_378 : i32 to index
      %swap3A_411 = arith.constant 96 : index
      %swap3A_412 = tpu.vector_load %arg6[%swap3A_409, %swap3A_410, %swap3A_411] {strides = array<i32>} : memref<3x80x128xf32, #tpu.memory_space<vmem>>, vector<16xf32>,
      tpu.vector_store %arg6[%swap3A_409, %swap3A_410, %swap3A_411], %broadcast_in_dim3A_3 {strides = array<i32>} : memref<3x80x128xf32, #tpu.memory_space<vmem>>, vector<16xf32>,
      %swap3A_413 = arith.constant 2 : i32
      %swap3A_414 = arith.index_cast %swap3A_413 : i32 to index
      %swap3A_415 = arith.index_cast %add3A_378 : i32 to index
      %swap3A_416 = arith.constant 112 : index
      %swap3A_417 = tpu.vector_load %arg6[%swap3A_414, %swap3A_415, %swap3A_416] {strides = array<i32>} : memref<3x80x128xf32, #tpu.memory_space<vmem>>, vector<16xf32>,
      tpu.vector_store %arg6[%swap3A_414, %swap3A_415, %swap3A_416], %broadcast_in_dim3A_3 {strides = array<i32>} : memref<3x80x128xf32, #tpu.memory_space<vmem>>, vector<16xf32>,
    }
    %scan3A_7 = arith.constant 80 : i32
    %mul3A_8 = arith.constant 640 : i32
    %mul3A_9 = arith.muli %arg1, %mul3A_8 : i32
    %add3A_10 = arith.constant 0 : i32
    %add3A_11 = arith.addi %mul3A_9, %add3A_10 : i32
    %dma_start3A = arith.constant 2 : i32
    %dma_start3A_12 = arith.constant 0 : i32
    %dma_start3A_13 = arith.constant 0 : i32
    %dma_start3A_14 = tpu.memref_slice %arg6[%dma_start3A, %dma_start3A_12, %dma_start3A_13] : memref<3x80x128xf32, #tpu.memory_space<vmem>> -> memref<1x80x128xf32, #tpu.memory_space<vmem>>
    %dma_start3A_15 = tpu.memref_squeeze %dma_start3A_14 : memref<1x80x128xf32, #tpu.memory_space<vmem>> -> memref<80x128xf32, #tpu.memory_space<vmem>>
    %dma_start3A_16 = arith.constant 0 : i32
    %dma_start3A_17 = tpu.memref_slice %arg9[%add3A_11, %dma_start3A_16] : memref<10240x128xf32, #tpu.memory_space<vmem_shared>> -> memref<80x128xf32, #tpu.memory_space<vmem_shared>>
    %dma_start3A_18 = arith.constant 0 : i32
    %dma_start3A_19 = tpu.memref_slice %arg9[%add3A_11, %dma_start3A_18] : memref<10240x128xf32, #tpu.memory_space<vmem_shared>> -> memref<80x128xf32, #tpu.memory_space<vmem_shared>>
    %dma_start3A_20 = arith.constant 0 : i32
    %dma_start3A_21 = arith.constant 0 : i32
    %dma_start3A_22 = tpu.memref_slice %arg6[%dma_start3A, %dma_start3A_20, %dma_start3A_21] : memref<3x80x128xf32, #tpu.memory_space<vmem>> -> memref<1x80x128xf32, #tpu.memory_space<vmem>>
    %dma_start3A_23 = tpu.memref_squeeze %dma_start3A_22 : memref<1x80x128xf32, #tpu.memory_space<vmem>> -> memref<80x128xf32, #tpu.memory_space<vmem>>
    tpu.enqueue_dma source(%dma_start3A_23 : memref<80x128xf32, #tpu.memory_space<vmem>>) target(%dma_start3A_19 : memref<80x128xf32, #tpu.memory_space<vmem_shared>>) target_semaphore(%arg13 : memref<!tpu.dma_semaphore, #tpu.memory_space<semaphore_mem>>)
    %mul3A_24 = arith.constant 640 : i32
    %mul3A_25 = arith.muli %arg1, %mul3A_24 : i32
    %add3A_26 = arith.constant 80 : i32
    %add3A_27 = arith.addi %mul3A_25, %add3A_26 : i32
    %dma_start3A_28 = arith.constant 2 : i32
    %dma_start3A_29 = arith.constant 0 : i32
    %dma_start3A_30 = arith.constant 0 : i32
    %dma_start3A_31 = tpu.memref_slice %arg6[%dma_start3A_28, %dma_start3A_29, %dma_start3A_30] : memref<3x80x128xf32, #tpu.memory_space<vmem>> -> memref<1x80x128xf32, #tpu.memory_space<vmem>>
    %dma_start3A_32 = tpu.memref_squeeze %dma_start3A_31 : memref<1x80x128xf32, #tpu.memory_space<vmem>> -> memref<80x128xf32, #tpu.memory_space<vmem>>
    %dma_start3A_33 = arith.constant 0 : i32
    %dma_start3A_34 = tpu.memref_slice %arg9[%add3A_27, %dma_start3A_33] : memref<10240x128xf32, #tpu.memory_space<vmem_shared>> -> memref<80x128xf32, #tpu.memory_space<vmem_shared>>
    %dma_start3A_35 = arith.constant 0 : i32
    %dma_start3A_36 = tpu.memref_slice %arg9[%add3A_27, %dma_start3A_35] : memref<10240x128xf32, #tpu.memory_space<vmem_shared>> -> memref<80x128xf32, #tpu.memory_space<vmem_shared>>
    %dma_start3A_37 = arith.constant 0 : i32
    %dma_start3A_38 = arith.constant 0 : i32
    %dma_start3A_39 = tpu.memref_slice %arg6[%dma_start3A_28, %dma_start3A_37, %dma_start3A_38] : memref<3x80x128xf32, #tpu.memory_space<vmem>> -> memref<1x80x128xf32, #tpu.memory_space<vmem>>
    %dma_start3A_40 = tpu.memref_squeeze %dma_start3A_39 : memref<1x80x128xf32, #tpu.memory_space<vmem>> -> memref<80x128xf32, #tpu.memory_space<vmem>>
    tpu.enqueue_dma source(%dma_start3A_40 : memref<80x128xf32, #tpu.memory_space<vmem>>) target(%dma_start3A_36 : memref<80x128xf32, #tpu.memory_space<vmem_shared>>) target_semaphore(%arg13 : memref<!tpu.dma_semaphore, #tpu.memory_space<semaphore_mem>>)
    %mul3A_41 = arith.constant 640 : i32
    %mul3A_42 = arith.muli %arg1, %mul3A_41 : i32
    %add3A_43 = arith.constant 160 : i32
    %add3A_44 = arith.addi %mul3A_42, %add3A_43 : i32
    %dma_start3A_45 = arith.constant 2 : i32
    %dma_start3A_46 = arith.constant 0 : i32
    %dma_start3A_47 = arith.constant 0 : i32
    %dma_start3A_48 = tpu.memref_slice %arg6[%dma_start3A_45, %dma_start3A_46, %dma_start3A_47] : memref<3x80x128xf32, #tpu.memory_space<vmem>> -> memref<1x80x128xf32, #tpu.memory_space<vmem>>
    %dma_start3A_49 = tpu.memref_squeeze %dma_start3A_48 : memref<1x80x128xf32, #tpu.memory_space<vmem>> -> memref<80x128xf32, #tpu.memory_space<vmem>>
    %dma_start3A_50 = arith.constant 0 : i32
    %dma_start3A_51 = tpu.memref_slice %arg9[%add3A_44, %dma_start3A_50] : memref<10240x128xf32, #tpu.memory_space<vmem_shared>> -> memref<80x128xf32, #tpu.memory_space<vmem_shared>>
    %dma_start3A_52 = arith.constant 0 : i32
    %dma_start3A_53 = tpu.memref_slice %arg9[%add3A_44, %dma_start3A_52] : memref<10240x128xf32, #tpu.memory_space<vmem_shared>> -> memref<80x128xf32, #tpu.memory_space<vmem_shared>>
    %dma_start3A_54 = arith.constant 0 : i32
    %dma_start3A_55 = arith.constant 0 : i32
    %dma_start3A_56 = tpu.memref_slice %arg6[%dma_start3A_45, %dma_start3A_54, %dma_start3A_55] : memref<3x80x128xf32, #tpu.memory_space<vmem>> -> memref<1x80x128xf32, #tpu.memory_space<vmem>>
    %dma_start3A_57 = tpu.memref_squeeze %dma_start3A_56 : memref<1x80x128xf32, #tpu.memory_space<vmem>> -> memref<80x128xf32, #tpu.memory_space<vmem>>
    tpu.enqueue_dma source(%dma_start3A_57 : memref<80x128xf32, #tpu.memory_space<vmem>>) target(%dma_start3A_53 : memref<80x128xf32, #tpu.memory_space<vmem_shared>>) target_semaphore(%arg13 : memref<!tpu.dma_semaphore, #tpu.memory_space<semaphore_mem>>)
    %mul3A_58 = arith.constant 640 : i32
    %mul3A_59 = arith.muli %arg1, %mul3A_58 : i32
    %add3A_60 = arith.constant 240 : i32
    %add3A_61 = arith.addi %mul3A_59, %add3A_60 : i32
    %dma_start3A_62 = arith.constant 2 : i32
    %dma_start3A_63 = arith.constant 0 : i32
    %dma_start3A_64 = arith.constant 0 : i32
    %dma_start3A_65 = tpu.memref_slice %arg6[%dma_start3A_62, %dma_start3A_63, %dma_start3A_64] : memref<3x80x128xf32, #tpu.memory_space<vmem>> -> memref<1x80x128xf32, #tpu.memory_space<vmem>>
    %dma_start3A_66 = tpu.memref_squeeze %dma_start3A_65 : memref<1x80x128xf32, #tpu.memory_space<vmem>> -> memref<80x128xf32, #tpu.memory_space<vmem>>
    %dma_start3A_67 = arith.constant 0 : i32
    %dma_start3A_68 = tpu.memref_slice %arg9[%add3A_61, %dma_start3A_67] : memref<10240x128xf32, #tpu.memory_space<vmem_shared>> -> memref<80x128xf32, #tpu.memory_space<vmem_shared>>
    %dma_start3A_69 = arith.constant 0 : i32
    %dma_start3A_70 = tpu.memref_slice %arg9[%add3A_61, %dma_start3A_69] : memref<10240x128xf32, #tpu.memory_space<vmem_shared>> -> memref<80x128xf32, #tpu.memory_space<vmem_shared>>
    %dma_start3A_71 = arith.constant 0 : i32
    %dma_start3A_72 = arith.constant 0 : i32
    %dma_start3A_73 = tpu.memref_slice %arg6[%dma_start3A_62, %dma_start3A_71, %dma_start3A_72] : memref<3x80x128xf32, #tpu.memory_space<vmem>> -> memref<1x80x128xf32, #tpu.memory_space<vmem>>
    %dma_start3A_74 = tpu.memref_squeeze %dma_start3A_73 : memref<1x80x128xf32, #tpu.memory_space<vmem>> -> memref<80x128xf32, #tpu.memory_space<vmem>>
    tpu.enqueue_dma source(%dma_start3A_74 : memref<80x128xf32, #tpu.memory_space<vmem>>) target(%dma_start3A_70 : memref<80x128xf32, #tpu.memory_space<vmem_shared>>) target_semaphore(%arg13 : memref<!tpu.dma_semaphore, #tpu.memory_space<semaphore_mem>>)
    %mul3A_75 = arith.constant 640 : i32
    %mul3A_76 = arith.muli %arg1, %mul3A_75 : i32
    %add3A_77 = arith.constant 320 : i32
    %add3A_78 = arith.addi %mul3A_76, %add3A_77 : i32
    %dma_start3A_79 = arith.constant 2 : i32
    %dma_start3A_80 = arith.constant 0 : i32
    %dma_start3A_81 = arith.constant 0 : i32
    %dma_start3A_82 = tpu.memref_slice %arg6[%dma_start3A_79, %dma_start3A_80, %dma_start3A_81] : memref<3x80x128xf32, #tpu.memory_space<vmem>> -> memref<1x80x128xf32, #tpu.memory_space<vmem>>
    %dma_start3A_83 = tpu.memref_squeeze %dma_start3A_82 : memref<1x80x128xf32, #tpu.memory_space<vmem>> -> memref<80x128xf32, #tpu.memory_space<vmem>>
    %dma_start3A_84 = arith.constant 0 : i32
    %dma_start3A_85 = tpu.memref_slice %arg9[%add3A_78, %dma_start3A_84] : memref<10240x128xf32, #tpu.memory_space<vmem_shared>> -> memref<80x128xf32, #tpu.memory_space<vmem_shared>>
    %dma_start3A_86 = arith.constant 0 : i32
    %dma_start3A_87 = tpu.memref_slice %arg9[%add3A_78, %dma_start3A_86] : memref<10240x128xf32, #tpu.memory_space<vmem_shared>> -> memref<80x128xf32, #tpu.memory_space<vmem_shared>>
    %dma_start3A_88 = arith.constant 0 : i32
    %dma_start3A_89 = arith.constant 0 : i32
    %dma_start3A_90 = tpu.memref_slice %arg6[%dma_start3A_79, %dma_start3A_88, %dma_start3A_89] : memref<3x80x128xf32, #tpu.memory_space<vmem>> -> memref<1x80x128xf32, #tpu.memory_space<vmem>>
    %dma_start3A_91 = tpu.memref_squeeze %dma_start3A_90 : memref<1x80x128xf32, #tpu.memory_space<vmem>> -> memref<80x128xf32, #tpu.memory_space<vmem>>
    tpu.enqueue_dma source(%dma_start3A_91 : memref<80x128xf32, #tpu.memory_space<vmem>>) target(%dma_start3A_87 : memref<80x128xf32, #tpu.memory_space<vmem_shared>>) target_semaphore(%arg13 : memref<!tpu.dma_semaphore, #tpu.memory_space<semaphore_mem>>)
    %mul3A_92 = arith.constant 640 : i32
    %mul3A_93 = arith.muli %arg1, %mul3A_92 : i32
    %add3A_94 = arith.constant 400 : i32
    %add3A_95 = arith.addi %mul3A_93, %add3A_94 : i32
    %dma_start3A_96 = arith.constant 2 : i32
    %dma_start3A_97 = arith.constant 0 : i32
    %dma_start3A_98 = arith.constant 0 : i32
    %dma_start3A_99 = tpu.memref_slice %arg6[%dma_start3A_96, %dma_start3A_97, %dma_start3A_98] : memref<3x80x128xf32, #tpu.memory_space<vmem>> -> memref<1x80x128xf32, #tpu.memory_space<vmem>>
    %dma_start3A_100 = tpu.memref_squeeze %dma_start3A_99 : memref<1x80x128xf32, #tpu.memory_space<vmem>> -> memref<80x128xf32, #tpu.memory_space<vmem>>
    %dma_start3A_101 = arith.constant 0 : i32
    %dma_start3A_102 = tpu.memref_slice %arg9[%add3A_95, %dma_start3A_101] : memref<10240x128xf32, #tpu.memory_space<vmem_shared>> -> memref<80x128xf32, #tpu.memory_space<vmem_shared>>
    %dma_start3A_103 = arith.constant 0 : i32
    %dma_start3A_104 = tpu.memref_slice %arg9[%add3A_95, %dma_start3A_103] : memref<10240x128xf32, #tpu.memory_space<vmem_shared>> -> memref<80x128xf32, #tpu.memory_space<vmem_shared>>
    %dma_start3A_105 = arith.constant 0 : i32
    %dma_start3A_106 = arith.constant 0 : i32
    %dma_start3A_107 = tpu.memref_slice %arg6[%dma_start3A_96, %dma_start3A_105, %dma_start3A_106] : memref<3x80x128xf32, #tpu.memory_space<vmem>> -> memref<1x80x128xf32, #tpu.memory_space<vmem>>
    %dma_start3A_108 = tpu.memref_squeeze %dma_start3A_107 : memref<1x80x128xf32, #tpu.memory_space<vmem>> -> memref<80x128xf32, #tpu.memory_space<vmem>>
    tpu.enqueue_dma source(%dma_start3A_108 : memref<80x128xf32, #tpu.memory_space<vmem>>) target(%dma_start3A_104 : memref<80x128xf32, #tpu.memory_space<vmem_shared>>) target_semaphore(%arg13 : memref<!tpu.dma_semaphore, #tpu.memory_space<semaphore_mem>>)
    %mul3A_109 = arith.constant 640 : i32
    %mul3A_110 = arith.muli %arg1, %mul3A_109 : i32
    %add3A_111 = arith.constant 480 : i32
    %add3A_112 = arith.addi %mul3A_110, %add3A_111 : i32
    %dma_start3A_113 = arith.constant 2 : i32
    %dma_start3A_114 = arith.constant 0 : i32
    %dma_start3A_115 = arith.constant 0 : i32
    %dma_start3A_116 = tpu.memref_slice %arg6[%dma_start3A_113, %dma_start3A_114, %dma_start3A_115] : memref<3x80x128xf32, #tpu.memory_space<vmem>> -> memref<1x80x128xf32, #tpu.memory_space<vmem>>
    %dma_start3A_117 = tpu.memref_squeeze %dma_start3A_116 : memref<1x80x128xf32, #tpu.memory_space<vmem>> -> memref<80x128xf32, #tpu.memory_space<vmem>>
    %dma_start3A_118 = arith.constant 0 : i32
    %dma_start3A_119 = tpu.memref_slice %arg9[%add3A_112, %dma_start3A_118] : memref<10240x128xf32, #tpu.memory_space<vmem_shared>> -> memref<80x128xf32, #tpu.memory_space<vmem_shared>>
    %dma_start3A_120 = arith.constant 0 : i32
    %dma_start3A_121 = tpu.memref_slice %arg9[%add3A_112, %dma_start3A_120] : memref<10240x128xf32, #tpu.memory_space<vmem_shared>> -> memref<80x128xf32, #tpu.memory_space<vmem_shared>>
    %dma_start3A_122 = arith.constant 0 : i32
    %dma_start3A_123 = arith.constant 0 : i32
    %dma_start3A_124 = tpu.memref_slice %arg6[%dma_start3A_113, %dma_start3A_122, %dma_start3A_123] : memref<3x80x128xf32, #tpu.memory_space<vmem>> -> memref<1x80x128xf32, #tpu.memory_space<vmem>>
    %dma_start3A_125 = tpu.memref_squeeze %dma_start3A_124 : memref<1x80x128xf32, #tpu.memory_space<vmem>> -> memref<80x128xf32, #tpu.memory_space<vmem>>
    tpu.enqueue_dma source(%dma_start3A_125 : memref<80x128xf32, #tpu.memory_space<vmem>>) target(%dma_start3A_121 : memref<80x128xf32, #tpu.memory_space<vmem_shared>>) target_semaphore(%arg13 : memref<!tpu.dma_semaphore, #tpu.memory_space<semaphore_mem>>)
    %mul3A_126 = arith.constant 640 : i32
    %mul3A_127 = arith.muli %arg1, %mul3A_126 : i32
    %add3A_128 = arith.constant 560 : i32
    %add3A_129 = arith.addi %mul3A_127, %add3A_128 : i32
    %dma_start3A_130 = arith.constant 2 : i32
    %dma_start3A_131 = arith.constant 0 : i32
    %dma_start3A_132 = arith.constant 0 : i32
    %dma_start3A_133 = tpu.memref_slice %arg6[%dma_start3A_130, %dma_start3A_131, %dma_start3A_132] : memref<3x80x128xf32, #tpu.memory_space<vmem>> -> memref<1x80x128xf32, #tpu.memory_space<vmem>>
    %dma_start3A_134 = tpu.memref_squeeze %dma_start3A_133 : memref<1x80x128xf32, #tpu.memory_space<vmem>> -> memref<80x128xf32, #tpu.memory_space<vmem>>
    %dma_start3A_135 = arith.constant 0 : i32
    %dma_start3A_136 = tpu.memref_slice %arg9[%add3A_129, %dma_start3A_135] : memref<10240x128xf32, #tpu.memory_space<vmem_shared>> -> memref<80x128xf32, #tpu.memory_space<vmem_shared>>
    %dma_start3A_137 = arith.constant 0 : i32
    %dma_start3A_138 = tpu.memref_slice %arg9[%add3A_129, %dma_start3A_137] : memref<10240x128xf32, #tpu.memory_space<vmem_shared>> -> memref<80x128xf32, #tpu.memory_space<vmem_shared>>
    %dma_start3A_139 = arith.constant 0 : i32
    %dma_start3A_140 = arith.constant 0 : i32
    %dma_start3A_141 = tpu.memref_slice %arg6[%dma_start3A_130, %dma_start3A_139, %dma_start3A_140] : memref<3x80x128xf32, #tpu.memory_space<vmem>> -> memref<1x80x128xf32, #tpu.memory_space<vmem>>
    %dma_start3A_142 = tpu.memref_squeeze %dma_start3A_141 : memref<1x80x128xf32, #tpu.memory_space<vmem>> -> memref<80x128xf32, #tpu.memory_space<vmem>>
    tpu.enqueue_dma source(%dma_start3A_142 : memref<80x128xf32, #tpu.memory_space<vmem>>) target(%dma_start3A_138 : memref<80x128xf32, #tpu.memory_space<vmem_shared>>) target_semaphore(%arg13 : memref<!tpu.dma_semaphore, #tpu.memory_space<semaphore_mem>>)
    %add3A_143 = arith.constant 0 : i32
    %add3A_144 = arith.addi %mul3A_2, %add3A_143 : i32
    %dma_start3A_145 = arith.constant 0 : i32
    %dma_start3A_146 = arith.constant 0 : i32
    %dma_start3A_147 = arith.constant 0 : i32
    %dma_start3A_148 = arith.constant 0 : i32
    %dma_start3A_149 = tpu.memref_slice %arg6[%dma_start3A_145, %dma_start3A_147, %dma_start3A_148] : memref<3x80x128xf32, #tpu.memory_space<vmem>> -> memref<1x80x128xf32, #tpu.memory_space<vmem>>
    %dma_start3A_150 = tpu.memref_squeeze %dma_start3A_149 : memref<1x80x128xf32, #tpu.memory_space<vmem>> -> memref<80x128xf32, #tpu.memory_space<vmem>>
    %dma_start3A_151 = arith.constant 0 : i32
    %dma_start3A_152 = tpu.memref_slice %arg2[%add3A_144, %dma_start3A_151] : memref<320000x128xf32, #tpu.memory_space<hbm>> -> memref<80x128xf32, #tpu.memory_space<hbm>>
    %dma_start3A_153 = tpu.memref_slice %arg10[%dma_start3A_146] : memref<3x!tpu.dma_semaphore, #tpu.memory_space<semaphore_mem>> -> memref<1x!tpu.dma_semaphore, #tpu.memory_space<semaphore_mem>>
    %dma_start3A_154 = tpu.memref_squeeze %dma_start3A_153 : memref<1x!tpu.dma_semaphore, #tpu.memory_space<semaphore_mem>> -> memref<!tpu.dma_semaphore, #tpu.memory_space<semaphore_mem>>
    %dma_start3A_155 = arith.constant 0 : i32
    %dma_start3A_156 = arith.constant 0 : i32
    %dma_start3A_157 = tpu.memref_slice %arg6[%dma_start3A_145, %dma_start3A_155, %dma_start3A_156] : memref<3x80x128xf32, #tpu.memory_space<vmem>> -> memref<1x80x128xf32, #tpu.memory_space<vmem>>
    %dma_start3A_158 = tpu.memref_squeeze %dma_start3A_157 : memref<1x80x128xf32, #tpu.memory_space<vmem>> -> memref<80x128xf32, #tpu.memory_space<vmem>>
    %dma_start3A_159 = arith.constant 0 : i32
    %dma_start3A_160 = tpu.memref_slice %arg2[%add3A_144, %dma_start3A_159] : memref<320000x128xf32, #tpu.memory_space<hbm>> -> memref<80x128xf32, #tpu.memory_space<hbm>>
    tpu.enqueue_dma source(%dma_start3A_160 : memref<80x128xf32, #tpu.memory_space<hbm>>) target(%dma_start3A_158 : memref<80x128xf32, #tpu.memory_space<vmem>>) target_semaphore(%dma_start3A_154 : memref<!tpu.dma_semaphore, #tpu.memory_space<semaphore_mem>>)
    %add3A_161 = arith.constant 0 : i32
    %add3A_162 = arith.addi %mul3A_2, %add3A_161 : i32
    %dma_start3A_163 = arith.constant 0 : i32
    %dma_start3A_164 = arith.constant 0 : i32
    %dma_start3A_165 = arith.constant 0 : i32
    %dma_start3A_166 = tpu.memref_slice %arg7[%dma_start3A_163, %dma_start3A_165] : memref<3x80xi32, #tpu.memory_space<vmem>> -> memref<1x80xi32, #tpu.memory_space<vmem>>
    %dma_start3A_167 = tpu.memref_squeeze %dma_start3A_166 : memref<1x80xi32, #tpu.memory_space<vmem>> -> memref<80xi32, #tpu.memory_space<vmem>>
    %dma_start3A_168 = tpu.memref_slice %arg3[%add3A_162] : memref<320000xi32, #tpu.memory_space<hbm>> -> memref<80xi32, #tpu.memory_space<hbm>>
    %dma_start3A_169 = tpu.memref_slice %arg11[%dma_start3A_164] : memref<3x!tpu.dma_semaphore, #tpu.memory_space<semaphore_mem>> -> memref<1x!tpu.dma_semaphore, #tpu.memory_space<semaphore_mem>>
    %dma_start3A_170 = tpu.memref_squeeze %dma_start3A_169 : memref<1x!tpu.dma_semaphore, #tpu.memory_space<semaphore_mem>> -> memref<!tpu.dma_semaphore, #tpu.memory_space<semaphore_mem>>
    %dma_start3A_171 = arith.constant 0 : i32
    %dma_start3A_172 = tpu.memref_slice %arg7[%dma_start3A_163, %dma_start3A_171] : memref<3x80xi32, #tpu.memory_space<vmem>> -> memref<1x80xi32, #tpu.memory_space<vmem>>
    %dma_start3A_173 = tpu.memref_squeeze %dma_start3A_172 : memref<1x80xi32, #tpu.memory_space<vmem>> -> memref<80xi32, #tpu.memory_space<vmem>>
    %dma_start3A_174 = tpu.memref_slice %arg3[%add3A_162] : memref<320000xi32, #tpu.memory_space<hbm>> -> memref<80xi32, #tpu.memory_space<hbm>>
    tpu.enqueue_dma source(%dma_start3A_174 : memref<80xi32, #tpu.memory_space<hbm>>) target(%dma_start3A_173 : memref<80xi32, #tpu.memory_space<vmem>>) target_semaphore(%dma_start3A_170 : memref<!tpu.dma_semaphore, #tpu.memory_space<semaphore_mem>>)
    %add3A_175 = arith.constant 80 : i32
    %add3A_176 = arith.addi %mul3A_2, %add3A_175 : i32
    %dma_start3A_177 = arith.constant 1 : i32
    %dma_start3A_178 = arith.constant 1 : i32
    %dma_start3A_179 = arith.constant 0 : i32
    %dma_start3A_180 = arith.constant 0 : i32
    %dma_start3A_181 = tpu.memref_slice %arg6[%dma_start3A_177, %dma_start3A_179, %dma_start3A_180] : memref<3x80x128xf32, #tpu.memory_space<vmem>> -> memref<1x80x128xf32, #tpu.memory_space<vmem>>
    %dma_start3A_182 = tpu.memref_squeeze %dma_start3A_181 : memref<1x80x128xf32, #tpu.memory_space<vmem>> -> memref<80x128xf32, #tpu.memory_space<vmem>>
    %dma_start3A_183 = arith.constant 0 : i32
    %dma_start3A_184 = tpu.memref_slice %arg2[%add3A_176, %dma_start3A_183] : memref<320000x128xf32, #tpu.memory_space<hbm>> -> memref<80x128xf32, #tpu.memory_space<hbm>>
    %dma_start3A_185 = tpu.memref_slice %arg10[%dma_start3A_178] : memref<3x!tpu.dma_semaphore, #tpu.memory_space<semaphore_mem>> -> memref<1x!tpu.dma_semaphore, #tpu.memory_space<semaphore_mem>>
    %dma_start3A_186 = tpu.memref_squeeze %dma_start3A_185 : memref<1x!tpu.dma_semaphore, #tpu.memory_space<semaphore_mem>> -> memref<!tpu.dma_semaphore, #tpu.memory_space<semaphore_mem>>
    %dma_start3A_187 = arith.constant 0 : i32
    %dma_start3A_188 = arith.constant 0 : i32
    %dma_start3A_189 = tpu.memref_slice %arg6[%dma_start3A_177, %dma_start3A_187, %dma_start3A_188] : memref<3x80x128xf32, #tpu.memory_space<vmem>> -> memref<1x80x128xf32, #tpu.memory_space<vmem>>
    %dma_start3A_190 = tpu.memref_squeeze %dma_start3A_189 : memref<1x80x128xf32, #tpu.memory_space<vmem>> -> memref<80x128xf32, #tpu.memory_space<vmem>>
    %dma_start3A_191 = arith.constant 0 : i32
    %dma_start3A_192 = tpu.memref_slice %arg2[%add3A_176, %dma_start3A_191] : memref<320000x128xf32, #tpu.memory_space<hbm>> -> memref<80x128xf32, #tpu.memory_space<hbm>>
    tpu.enqueue_dma source(%dma_start3A_192 : memref<80x128xf32, #tpu.memory_space<hbm>>) target(%dma_start3A_190 : memref<80x128xf32, #tpu.memory_space<vmem>>) target_semaphore(%dma_start3A_186 : memref<!tpu.dma_semaphore, #tpu.memory_space<semaphore_mem>>)
    %add3A_193 = arith.constant 80 : i32
    %add3A_194 = arith.addi %mul3A_2, %add3A_193 : i32
    %dma_start3A_195 = arith.constant 1 : i32
    %dma_start3A_196 = arith.constant 1 : i32
    %dma_start3A_197 = arith.constant 0 : i32
    %dma_start3A_198 = tpu.memref_slice %arg7[%dma_start3A_195, %dma_start3A_197] : memref<3x80xi32, #tpu.memory_space<vmem>> -> memref<1x80xi32, #tpu.memory_space<vmem>>
    %dma_start3A_199 = tpu.memref_squeeze %dma_start3A_198 : memref<1x80xi32, #tpu.memory_space<vmem>> -> memref<80xi32, #tpu.memory_space<vmem>>
    %dma_start3A_200 = tpu.memref_slice %arg3[%add3A_194] : memref<320000xi32, #tpu.memory_space<hbm>> -> memref<80xi32, #tpu.memory_space<hbm>>
    %dma_start3A_201 = tpu.memref_slice %arg11[%dma_start3A_196] : memref<3x!tpu.dma_semaphore, #tpu.memory_space<semaphore_mem>> -> memref<1x!tpu.dma_semaphore, #tpu.memory_space<semaphore_mem>>
    %dma_start3A_202 = tpu.memref_squeeze %dma_start3A_201 : memref<1x!tpu.dma_semaphore, #tpu.memory_space<semaphore_mem>> -> memref<!tpu.dma_semaphore, #tpu.memory_space<semaphore_mem>>
    %dma_start3A_203 = arith.constant 0 : i32
    %dma_start3A_204 = tpu.memref_slice %arg7[%dma_start3A_195, %dma_start3A_203] : memref<3x80xi32, #tpu.memory_space<vmem>> -> memref<1x80xi32, #tpu.memory_space<vmem>>
    %dma_start3A_205 = tpu.memref_squeeze %dma_start3A_204 : memref<1x80xi32, #tpu.memory_space<vmem>> -> memref<80xi32, #tpu.memory_space<vmem>>
    %dma_start3A_206 = tpu.memref_slice %arg3[%add3A_194] : memref<320000xi32, #tpu.memory_space<hbm>> -> memref<80xi32, #tpu.memory_space<hbm>>
    tpu.enqueue_dma source(%dma_start3A_206 : memref<80xi32, #tpu.memory_space<hbm>>) target(%dma_start3A_205 : memref<80xi32, #tpu.memory_space<vmem>>) target_semaphore(%dma_start3A_202 : memref<!tpu.dma_semaphore, #tpu.memory_space<semaphore_mem>>)
    %scan3A_207 = arith.constant 0 : i32
    %scan3A_208 = arith.constant 640 : i32
    %scan3A_209 = arith.addi %scan3A_207, %scan3A_208 : i32
    %scan3A_210 = arith.constant 1 : i32
    scf.for %scan3A_374 = %scan3A_207 to %scan3A_209 step %scan3A_210  : i32 {
      %mul3A_375 = arith.constant 1 : i32
      %mul3A_376 = arith.muli %scan3A_374, %mul3A_375 : i32
      %add3A_377 = arith.constant 0 : i32
      %add3A_378 = arith.addi %add3A_377, %mul3A_376 : i32
      %mul3A_379 = arith.constant 16 : i32
      %mul3A_380 = arith.muli %add3A_378, %mul3A_379 : i32
      %swap3A = arith.index_cast %mul3A_380 : i32 to index
      %swap3A_381 = tpu.vector_load %arg8[%swap3A] {strides = array<i32>} : memref<10240xf32, #tpu.memory_space<vmem>>, vector<16xf32>,
      tpu.vector_store %arg8[%swap3A], %broadcast_in_dim3A_3 {strides = array<i32>} : memref<10240xf32, #tpu.memory_space<vmem>>, vector<16xf32>,
    }
    %scan3A_211 = arith.constant 640 : i32
    %mul3A_212 = arith.constant 640 : i32
    %mul3A_213 = arith.muli %arg1, %mul3A_212 : i32
    %add3A_214 = arith.constant 0 : i32
    %add3A_215 = arith.addi %mul3A_213, %add3A_214 : i32
    %dma_wait3A = arith.constant 2 : i32
    %dma_wait3A_216 = arith.constant 0 : i32
    %dma_wait3A_217 = arith.constant 0 : i32
    %dma_wait3A_218 = tpu.memref_slice %arg6[%dma_wait3A, %dma_wait3A_216, %dma_wait3A_217] : memref<3x80x128xf32, #tpu.memory_space<vmem>> -> memref<1x80x128xf32, #tpu.memory_space<vmem>>
    %dma_wait3A_219 = tpu.memref_squeeze %dma_wait3A_218 : memref<1x80x128xf32, #tpu.memory_space<vmem>> -> memref<80x128xf32, #tpu.memory_space<vmem>>
    %dma_wait3A_220 = arith.constant 0 : i32
    %dma_wait3A_221 = tpu.memref_slice %arg9[%add3A_215, %dma_wait3A_220] : memref<10240x128xf32, #tpu.memory_space<vmem_shared>> -> memref<80x128xf32, #tpu.memory_space<vmem_shared>>
    %dma_wait3A_222 = arith.constant 0 : i32
    %dma_wait3A_223 = tpu.memref_slice %arg9[%add3A_215, %dma_wait3A_222] : memref<10240x128xf32, #tpu.memory_space<vmem_shared>> -> memref<80x128xf32, #tpu.memory_space<vmem_shared>>
    %dma_wait3A_224 = arith.constant 0 : i32
    %dma_wait3A_225 = arith.constant 0 : i32
    %dma_wait3A_226 = tpu.memref_slice %arg6[%dma_wait3A, %dma_wait3A_224, %dma_wait3A_225] : memref<3x80x128xf32, #tpu.memory_space<vmem>> -> memref<1x80x128xf32, #tpu.memory_space<vmem>>
    %dma_wait3A_227 = tpu.memref_squeeze %dma_wait3A_226 : memref<1x80x128xf32, #tpu.memory_space<vmem>> -> memref<80x128xf32, #tpu.memory_space<vmem>>
    tpu.wait_dma2 semaphore(%arg13 : memref<!tpu.dma_semaphore, #tpu.memory_space<semaphore_mem>>) src(%dma_wait3A_227 : memref<80x128xf32, #tpu.memory_space<vmem>>) dst(%dma_wait3A_223 : memref<80x128xf32, #tpu.memory_space<vmem_shared>>)
    %mul3A_228 = arith.constant 640 : i32
    %mul3A_229 = arith.muli %arg1, %mul3A_228 : i32
    %add3A_230 = arith.constant 80 : i32
    %add3A_231 = arith.addi %mul3A_229, %add3A_230 : i32
    %dma_wait3A_232 = arith.constant 2 : i32
    %dma_wait3A_233 = arith.constant 0 : i32
    %dma_wait3A_234 = arith.constant 0 : i32
    %dma_wait3A_235 = tpu.memref_slice %arg6[%dma_wait3A_232, %dma_wait3A_233, %dma_wait3A_234] : memref<3x80x128xf32, #tpu.memory_space<vmem>> -> memref<1x80x128xf32, #tpu.memory_space<vmem>>
    %dma_wait3A_236 = tpu.memref_squeeze %dma_wait3A_235 : memref<1x80x128xf32, #tpu.memory_space<vmem>> -> memref<80x128xf32, #tpu.memory_space<vmem>>
    %dma_wait3A_237 = arith.constant 0 : i32
    %dma_wait3A_238 = tpu.memref_slice %arg9[%add3A_231, %dma_wait3A_237] : memref<10240x128xf32, #tpu.memory_space<vmem_shared>> -> memref<80x128xf32, #tpu.memory_space<vmem_shared>>
    %dma_wait3A_239 = arith.constant 0 : i32
    %dma_wait3A_240 = tpu.memref_slice %arg9[%add3A_231, %dma_wait3A_239] : memref<10240x128xf32, #tpu.memory_space<vmem_shared>> -> memref<80x128xf32, #tpu.memory_space<vmem_shared>>
    %dma_wait3A_241 = arith.constant 0 : i32
    %dma_wait3A_242 = arith.constant 0 : i32
    %dma_wait3A_243 = tpu.memref_slice %arg6[%dma_wait3A_232, %dma_wait3A_241, %dma_wait3A_242] : memref<3x80x128xf32, #tpu.memory_space<vmem>> -> memref<1x80x128xf32, #tpu.memory_space<vmem>>
    %dma_wait3A_244 = tpu.memref_squeeze %dma_wait3A_243 : memref<1x80x128xf32, #tpu.memory_space<vmem>> -> memref<80x128xf32, #tpu.memory_space<vmem>>
    tpu.wait_dma2 semaphore(%arg13 : memref<!tpu.dma_semaphore, #tpu.memory_space<semaphore_mem>>) src(%dma_wait3A_244 : memref<80x128xf32, #tpu.memory_space<vmem>>) dst(%dma_wait3A_240 : memref<80x128xf32, #tpu.memory_space<vmem_shared>>)
    %mul3A_245 = arith.constant 640 : i32
    %mul3A_246 = arith.muli %arg1, %mul3A_245 : i32
    %add3A_247 = arith.constant 160 : i32
    %add3A_248 = arith.addi %mul3A_246, %add3A_247 : i32
    %dma_wait3A_249 = arith.constant 2 : i32
    %dma_wait3A_250 = arith.constant 0 : i32
    %dma_wait3A_251 = arith.constant 0 : i32
    %dma_wait3A_252 = tpu.memref_slice %arg6[%dma_wait3A_249, %dma_wait3A_250, %dma_wait3A_251] : memref<3x80x128xf32, #tpu.memory_space<vmem>> -> memref<1x80x128xf32, #tpu.memory_space<vmem>>
    %dma_wait3A_253 = tpu.memref_squeeze %dma_wait3A_252 : memref<1x80x128xf32, #tpu.memory_space<vmem>> -> memref<80x128xf32, #tpu.memory_space<vmem>>
    %dma_wait3A_254 = arith.constant 0 : i32
    %dma_wait3A_255 = tpu.memref_slice %arg9[%add3A_248, %dma_wait3A_254] : memref<10240x128xf32, #tpu.memory_space<vmem_shared>> -> memref<80x128xf32, #tpu.memory_space<vmem_shared>>
    %dma_wait3A_256 = arith.constant 0 : i32
    %dma_wait3A_257 = tpu.memref_slice %arg9[%add3A_248, %dma_wait3A_256] : memref<10240x128xf32, #tpu.memory_space<vmem_shared>> -> memref<80x128xf32, #tpu.memory_space<vmem_shared>>
    %dma_wait3A_258 = arith.constant 0 : i32
    %dma_wait3A_259 = arith.constant 0 : i32
    %dma_wait3A_260 = tpu.memref_slice %arg6[%dma_wait3A_249, %dma_wait3A_258, %dma_wait3A_259] : memref<3x80x128xf32, #tpu.memory_space<vmem>> -> memref<1x80x128xf32, #tpu.memory_space<vmem>>
    %dma_wait3A_261 = tpu.memref_squeeze %dma_wait3A_260 : memref<1x80x128xf32, #tpu.memory_space<vmem>> -> memref<80x128xf32, #tpu.memory_space<vmem>>
    tpu.wait_dma2 semaphore(%arg13 : memref<!tpu.dma_semaphore, #tpu.memory_space<semaphore_mem>>) src(%dma_wait3A_261 : memref<80x128xf32, #tpu.memory_space<vmem>>) dst(%dma_wait3A_257 : memref<80x128xf32, #tpu.memory_space<vmem_shared>>)
    %mul3A_262 = arith.constant 640 : i32
    %mul3A_263 = arith.muli %arg1, %mul3A_262 : i32
    %add3A_264 = arith.constant 240 : i32
    %add3A_265 = arith.addi %mul3A_263, %add3A_264 : i32
    %dma_wait3A_266 = arith.constant 2 : i32
    %dma_wait3A_267 = arith.constant 0 : i32
    %dma_wait3A_268 = arith.constant 0 : i32
    %dma_wait3A_269 = tpu.memref_slice %arg6[%dma_wait3A_266, %dma_wait3A_267, %dma_wait3A_268] : memref<3x80x128xf32, #tpu.memory_space<vmem>> -> memref<1x80x128xf32, #tpu.memory_space<vmem>>
    %dma_wait3A_270 = tpu.memref_squeeze %dma_wait3A_269 : memref<1x80x128xf32, #tpu.memory_space<vmem>> -> memref<80x128xf32, #tpu.memory_space<vmem>>
    %dma_wait3A_271 = arith.constant 0 : i32
    %dma_wait3A_272 = tpu.memref_slice %arg9[%add3A_265, %dma_wait3A_271] : memref<10240x128xf32, #tpu.memory_space<vmem_shared>> -> memref<80x128xf32, #tpu.memory_space<vmem_shared>>
    %dma_wait3A_273 = arith.constant 0 : i32
    %dma_wait3A_274 = tpu.memref_slice %arg9[%add3A_265, %dma_wait3A_273] : memref<10240x128xf32, #tpu.memory_space<vmem_shared>> -> memref<80x128xf32, #tpu.memory_space<vmem_shared>>
    %dma_wait3A_275 = arith.constant 0 : i32
    %dma_wait3A_276 = arith.constant 0 : i32
    %dma_wait3A_277 = tpu.memref_slice %arg6[%dma_wait3A_266, %dma_wait3A_275, %dma_wait3A_276] : memref<3x80x128xf32, #tpu.memory_space<vmem>> -> memref<1x80x128xf32, #tpu.memory_space<vmem>>
    %dma_wait3A_278 = tpu.memref_squeeze %dma_wait3A_277 : memref<1x80x128xf32, #tpu.memory_space<vmem>> -> memref<80x128xf32, #tpu.memory_space<vmem>>
    tpu.wait_dma2 semaphore(%arg13 : memref<!tpu.dma_semaphore, #tpu.memory_space<semaphore_mem>>) src(%dma_wait3A_278 : memref<80x128xf32, #tpu.memory_space<vmem>>) dst(%dma_wait3A_274 : memref<80x128xf32, #tpu.memory_space<vmem_shared>>)
    %mul3A_279 = arith.constant 640 : i32
    %mul3A_280 = arith.muli %arg1, %mul3A_279 : i32
    %add3A_281 = arith.constant 320 : i32
    %add3A_282 = arith.addi %mul3A_280, %add3A_281 : i32
    %dma_wait3A_283 = arith.constant 2 : i32
    %dma_wait3A_284 = arith.constant 0 : i32
    %dma_wait3A_285 = arith.constant 0 : i32
    %dma_wait3A_286 = tpu.memref_slice %arg6[%dma_wait3A_283, %dma_wait3A_284, %dma_wait3A_285] : memref<3x80x128xf32, #tpu.memory_space<vmem>> -> memref<1x80x128xf32, #tpu.memory_space<vmem>>
    %dma_wait3A_287 = tpu.memref_squeeze %dma_wait3A_286 : memref<1x80x128xf32, #tpu.memory_space<vmem>> -> memref<80x128xf32, #tpu.memory_space<vmem>>
    %dma_wait3A_288 = arith.constant 0 : i32
    %dma_wait3A_289 = tpu.memref_slice %arg9[%add3A_282, %dma_wait3A_288] : memref<10240x128xf32, #tpu.memory_space<vmem_shared>> -> memref<80x128xf32, #tpu.memory_space<vmem_shared>>
    %dma_wait3A_290 = arith.constant 0 : i32
    %dma_wait3A_291 = tpu.memref_slice %arg9[%add3A_282, %dma_wait3A_290] : memref<10240x128xf32, #tpu.memory_space<vmem_shared>> -> memref<80x128xf32, #tpu.memory_space<vmem_shared>>
    %dma_wait3A_292 = arith.constant 0 : i32
    %dma_wait3A_293 = arith.constant 0 : i32
    %dma_wait3A_294 = tpu.memref_slice %arg6[%dma_wait3A_283, %dma_wait3A_292, %dma_wait3A_293] : memref<3x80x128xf32, #tpu.memory_space<vmem>> -> memref<1x80x128xf32, #tpu.memory_space<vmem>>
    %dma_wait3A_295 = tpu.memref_squeeze %dma_wait3A_294 : memref<1x80x128xf32, #tpu.memory_space<vmem>> -> memref<80x128xf32, #tpu.memory_space<vmem>>
    tpu.wait_dma2 semaphore(%arg13 : memref<!tpu.dma_semaphore, #tpu.memory_space<semaphore_mem>>) src(%dma_wait3A_295 : memref<80x128xf32, #tpu.memory_space<vmem>>) dst(%dma_wait3A_291 : memref<80x128xf32, #tpu.memory_space<vmem_shared>>)
    %mul3A_296 = arith.constant 640 : i32
    %mul3A_297 = arith.muli %arg1, %mul3A_296 : i32
    %add3A_298 = arith.constant 400 : i32
    %add3A_299 = arith.addi %mul3A_297, %add3A_298 : i32
    %dma_wait3A_300 = arith.constant 2 : i32
    %dma_wait3A_301 = arith.constant 0 : i32
    %dma_wait3A_302 = arith.constant 0 : i32
    %dma_wait3A_303 = tpu.memref_slice %arg6[%dma_wait3A_300, %dma_wait3A_301, %dma_wait3A_302] : memref<3x80x128xf32, #tpu.memory_space<vmem>> -> memref<1x80x128xf32, #tpu.memory_space<vmem>>
    %dma_wait3A_304 = tpu.memref_squeeze %dma_wait3A_303 : memref<1x80x128xf32, #tpu.memory_space<vmem>> -> memref<80x128xf32, #tpu.memory_space<vmem>>
    %dma_wait3A_305 = arith.constant 0 : i32
    %dma_wait3A_306 = tpu.memref_slice %arg9[%add3A_299, %dma_wait3A_305] : memref<10240x128xf32, #tpu.memory_space<vmem_shared>> -> memref<80x128xf32, #tpu.memory_space<vmem_shared>>
    %dma_wait3A_307 = arith.constant 0 : i32
    %dma_wait3A_308 = tpu.memref_slice %arg9[%add3A_299, %dma_wait3A_307] : memref<10240x128xf32, #tpu.memory_space<vmem_shared>> -> memref<80x128xf32, #tpu.memory_space<vmem_shared>>
    %dma_wait3A_309 = arith.constant 0 : i32
    %dma_wait3A_310 = arith.constant 0 : i32
    %dma_wait3A_311 = tpu.memref_slice %arg6[%dma_wait3A_300, %dma_wait3A_309, %dma_wait3A_310] : memref<3x80x128xf32, #tpu.memory_space<vmem>> -> memref<1x80x128xf32, #tpu.memory_space<vmem>>
    %dma_wait3A_312 = tpu.memref_squeeze %dma_wait3A_311 : memref<1x80x128xf32, #tpu.memory_space<vmem>> -> memref<80x128xf32, #tpu.memory_space<vmem>>
    tpu.wait_dma2 semaphore(%arg13 : memref<!tpu.dma_semaphore, #tpu.memory_space<semaphore_mem>>) src(%dma_wait3A_312 : memref<80x128xf32, #tpu.memory_space<vmem>>) dst(%dma_wait3A_308 : memref<80x128xf32, #tpu.memory_space<vmem_shared>>)
    %mul3A_313 = arith.constant 640 : i32
    %mul3A_314 = arith.muli %arg1, %mul3A_313 : i32
    %add3A_315 = arith.constant 480 : i32
    %add3A_316 = arith.addi %mul3A_314, %add3A_315 : i32
    %dma_wait3A_317 = arith.constant 2 : i32
    %dma_wait3A_318 = arith.constant 0 : i32
    %dma_wait3A_319 = arith.constant 0 : i32
    %dma_wait3A_320 = tpu.memref_slice %arg6[%dma_wait3A_317, %dma_wait3A_318, %dma_wait3A_319] : memref<3x80x128xf32, #tpu.memory_space<vmem>> -> memref<1x80x128xf32, #tpu.memory_space<vmem>>
    %dma_wait3A_321 = tpu.memref_squeeze %dma_wait3A_320 : memref<1x80x128xf32, #tpu.memory_space<vmem>> -> memref<80x128xf32, #tpu.memory_space<vmem>>
    %dma_wait3A_322 = arith.constant 0 : i32
    %dma_wait3A_323 = tpu.memref_slice %arg9[%add3A_316, %dma_wait3A_322] : memref<10240x128xf32, #tpu.memory_space<vmem_shared>> -> memref<80x128xf32, #tpu.memory_space<vmem_shared>>
    %dma_wait3A_324 = arith.constant 0 : i32
    %dma_wait3A_325 = tpu.memref_slice %arg9[%add3A_316, %dma_wait3A_324] : memref<10240x128xf32, #tpu.memory_space<vmem_shared>> -> memref<80x128xf32, #tpu.memory_space<vmem_shared>>
    %dma_wait3A_326 = arith.constant 0 : i32
    %dma_wait3A_327 = arith.constant 0 : i32
    %dma_wait3A_328 = tpu.memref_slice %arg6[%dma_wait3A_317, %dma_wait3A_326, %dma_wait3A_327] : memref<3x80x128xf32, #tpu.memory_space<vmem>> -> memref<1x80x128xf32, #tpu.memory_space<vmem>>
    %dma_wait3A_329 = tpu.memref_squeeze %dma_wait3A_328 : memref<1x80x128xf32, #tpu.memory_space<vmem>> -> memref<80x128xf32, #tpu.memory_space<vmem>>
    tpu.wait_dma2 semaphore(%arg13 : memref<!tpu.dma_semaphore, #tpu.memory_space<semaphore_mem>>) src(%dma_wait3A_329 : memref<80x128xf32, #tpu.memory_space<vmem>>) dst(%dma_wait3A_325 : memref<80x128xf32, #tpu.memory_space<vmem_shared>>)
    %mul3A_330 = arith.constant 640 : i32
    %mul3A_331 = arith.muli %arg1, %mul3A_330 : i32
    %add3A_332 = arith.constant 560 : i32
    %add3A_333 = arith.addi %mul3A_331, %add3A_332 : i32
    %dma_wait3A_334 = arith.constant 2 : i32
    %dma_wait3A_335 = arith.constant 0 : i32
    %dma_wait3A_336 = arith.constant 0 : i32
    %dma_wait3A_337 = tpu.memref_slice %arg6[%dma_wait3A_334, %dma_wait3A_335, %dma_wait3A_336] : memref<3x80x128xf32, #tpu.memory_space<vmem>> -> memref<1x80x128xf32, #tpu.memory_space<vmem>>
    %dma_wait3A_338 = tpu.memref_squeeze %dma_wait3A_337 : memref<1x80x128xf32, #tpu.memory_space<vmem>> -> memref<80x128xf32, #tpu.memory_space<vmem>>
    %dma_wait3A_339 = arith.constant 0 : i32
    %dma_wait3A_340 = tpu.memref_slice %arg9[%add3A_333, %dma_wait3A_339] : memref<10240x128xf32, #tpu.memory_space<vmem_shared>> -> memref<80x128xf32, #tpu.memory_space<vmem_shared>>
    %dma_wait3A_341 = arith.constant 0 : i32
    %dma_wait3A_342 = tpu.memref_slice %arg9[%add3A_333, %dma_wait3A_341] : memref<10240x128xf32, #tpu.memory_space<vmem_shared>> -> memref<80x128xf32, #tpu.memory_space<vmem_shared>>
    %dma_wait3A_343 = arith.constant 0 : i32
    %dma_wait3A_344 = arith.constant 0 : i32
    %dma_wait3A_345 = tpu.memref_slice %arg6[%dma_wait3A_334, %dma_wait3A_343, %dma_wait3A_344] : memref<3x80x128xf32, #tpu.memory_space<vmem>> -> memref<1x80x128xf32, #tpu.memory_space<vmem>>
    %dma_wait3A_346 = tpu.memref_squeeze %dma_wait3A_345 : memref<1x80x128xf32, #tpu.memory_space<vmem>> -> memref<80x128xf32, #tpu.memory_space<vmem>>
    tpu.wait_dma2 semaphore(%arg13 : memref<!tpu.dma_semaphore, #tpu.memory_space<semaphore_mem>>) src(%dma_wait3A_346 : memref<80x128xf32, #tpu.memory_space<vmem>>) dst(%dma_wait3A_342 : memref<80x128xf32, #tpu.memory_space<vmem_shared>>)
    %barrier3A = arith.constant 0 : index
    tpu.barrier barrier_id(%barrier3A)
    %broadcast_in_dim3A_347 = arith.constant 1.000000e+00 : f32
    %broadcast_in_dim3A_348 = vector.broadcast %broadcast_in_dim3A_347 : f32 to vector<16xf32>
    %scan3A_349 = arith.constant 0 : i32
    %scan3A_350 = arith.constant 125 : i32
    %scan3A_351 = arith.addi %scan3A_349, %scan3A_350 : i32
    %scan3A_352 = arith.constant 1 : i32
    scf.for %scan3A_374 = %scan3A_349 to %scan3A_351 step %scan3A_352  : i32 {
      %mul3A_375 = arith.constant 1 : i32
      %mul3A_376 = arith.muli %scan3A_374, %mul3A_375 : i32
      %add3A_377 = arith.constant 0 : i32
      %add3A_378 = arith.addi %add3A_377, %mul3A_376 : i32
      %rem3A = arith.constant 3 : i32
      %rem3A_379 = arith.remsi %add3A_378, %rem3A : i32
      %ge3A = arith.constant 1 : i32
      %ge3A_380 = arith.cmpi sge, %add3A_378, %ge3A : i32
      %convert_element_type3A = arith.extui %ge3A_380 : i1 to i32
      %cond3A = arith.constant 0 : i32
      %cond3A_381 = arith.cmpi ne, %convert_element_type3A, %cond3A : i32
      scf.if %cond3A_381 {
        %sub3A = arith.constant 1 : i32
        %sub3A_444 = arith.subi %add3A_378, %sub3A : i32
        %rem3A_445 = arith.constant 3 : i32
        %rem3A_446 = arith.remsi %sub3A_444, %rem3A_445 : i32
        %dma_wait3A_447 = arith.constant 0 : i32
        %dma_wait3A_448 = arith.constant 0 : i32
        %dma_wait3A_449 = tpu.memref_slice %arg6[%rem3A_446, %dma_wait3A_447, %dma_wait3A_448] : memref<3x80x128xf32, #tpu.memory_space<vmem>> -> memref<1x80x128xf32, #tpu.memory_space<vmem>>
        %dma_wait3A_450 = tpu.memref_squeeze %dma_wait3A_449 : memref<1x80x128xf32, #tpu.memory_space<vmem>> -> memref<80x128xf32, #tpu.memory_space<vmem>>
        %dma_wait3A_451 = arith.constant 0 : i32
        %dma_wait3A_452 = tpu.memref_slice %arg7[%rem3A_446, %dma_wait3A_451] : memref<3x80xi32, #tpu.memory_space<vmem>> -> memref<1x80xi32, #tpu.memory_space<vmem>>
        %dma_wait3A_453 = tpu.memref_squeeze %dma_wait3A_452 : memref<1x80xi32, #tpu.memory_space<vmem>> -> memref<80xi32, #tpu.memory_space<vmem>>
        %dma_wait3A_454 = arith.constant 0 : i32
        %dma_wait3A_455 = arith.constant 0 : i32
        %dma_wait3A_456 = tpu.memref_slice %arg9[%dma_wait3A_454, %dma_wait3A_455] : memref<10240x128xf32, #tpu.memory_space<vmem_shared>> -> memref<10240x128xf32, #tpu.memory_space<vmem_shared>>
        %dma_wait3A_457 = tpu.memref_slice %arg12[%rem3A_446] : memref<3x!tpu.dma_semaphore, #tpu.memory_space<semaphore_mem>> -> memref<1x!tpu.dma_semaphore, #tpu.memory_space<semaphore_mem>>
        %dma_wait3A_458 = tpu.memref_squeeze %dma_wait3A_457 : memref<1x!tpu.dma_semaphore, #tpu.memory_space<semaphore_mem>> -> memref<!tpu.dma_semaphore, #tpu.memory_space<semaphore_mem>>
        tpu.wait_indirect_dma semaphore(%dma_wait3A_458 : memref<!tpu.dma_semaphore, #tpu.memory_space<semaphore_mem>>) src(%dma_wait3A_450 : memref<80x128xf32, #tpu.memory_space<vmem>>) dst(%dma_wait3A_456 : memref<10240x128xf32, #tpu.memory_space<vmem_shared>>)
      } else {
      }
      %add3A_382 = arith.constant 2 : i32
      %add3A_383 = arith.addi %add3A_378, %add3A_382 : i32
      %lt3A = arith.constant 125 : i32
      %lt3A_384 = arith.cmpi slt, %add3A_383, %lt3A : i32
      %convert_element_type3A_385 = arith.extui %lt3A_384 : i1 to i32
      %cond3A_386 = arith.constant 0 : i32
      %cond3A_387 = arith.cmpi ne, %convert_element_type3A_385, %cond3A_386 : i32
      scf.if %cond3A_387 {
        %add3A_444 = arith.constant 2 : i32
        %add3A_445 = arith.addi %add3A_378, %add3A_444 : i32
        %add3A_446 = arith.constant 2 : i32
        %add3A_447 = arith.addi %add3A_378, %add3A_446 : i32
        %rem3A_448 = arith.constant 3 : i32
        %rem3A_449 = arith.remsi %add3A_447, %rem3A_448 : i32
        %mul3A_450 = arith.constant 80 : i32
        %mul3A_451 = arith.muli %add3A_445, %mul3A_450 : i32
        %add3A_452 = arith.addi %mul3A_2, %mul3A_451 : i32
        %dma_start3A_453 = arith.constant 0 : i32
        %dma_start3A_454 = arith.constant 0 : i32
        %dma_start3A_455 = tpu.memref_slice %arg6[%rem3A_449, %dma_start3A_453, %dma_start3A_454] : memref<3x80x128xf32, #tpu.memory_space<vmem>> -> memref<1x80x128xf32, #tpu.memory_space<vmem>>
        %dma_start3A_456 = tpu.memref_squeeze %dma_start3A_455 : memref<1x80x128xf32, #tpu.memory_space<vmem>> -> memref<80x128xf32, #tpu.memory_space<vmem>>
        %dma_start3A_457 = arith.constant 0 : i32
        %dma_start3A_458 = tpu.memref_slice %arg2[%add3A_452, %dma_start3A_457] : memref<320000x128xf32, #tpu.memory_space<hbm>> -> memref<80x128xf32, #tpu.memory_space<hbm>>
        %dma_start3A_459 = tpu.memref_slice %arg10[%rem3A_449] : memref<3x!tpu.dma_semaphore, #tpu.memory_space<semaphore_mem>> -> memref<1x!tpu.dma_semaphore, #tpu.memory_space<semaphore_mem>>
        %dma_start3A_460 = tpu.memref_squeeze %dma_start3A_459 : memref<1x!tpu.dma_semaphore, #tpu.memory_space<semaphore_mem>> -> memref<!tpu.dma_semaphore, #tpu.memory_space<semaphore_mem>>
        %dma_start3A_461 = arith.constant 0 : i32
        %dma_start3A_462 = arith.constant 0 : i32
        %dma_start3A_463 = tpu.memref_slice %arg6[%rem3A_449, %dma_start3A_461, %dma_start3A_462] : memref<3x80x128xf32, #tpu.memory_space<vmem>> -> memref<1x80x128xf32, #tpu.memory_space<vmem>>
        %dma_start3A_464 = tpu.memref_squeeze %dma_start3A_463 : memref<1x80x128xf32, #tpu.memory_space<vmem>> -> memref<80x128xf32, #tpu.memory_space<vmem>>
        %dma_start3A_465 = arith.constant 0 : i32
        %dma_start3A_466 = tpu.memref_slice %arg2[%add3A_452, %dma_start3A_465] : memref<320000x128xf32, #tpu.memory_space<hbm>> -> memref<80x128xf32, #tpu.memory_space<hbm>>
        tpu.enqueue_dma source(%dma_start3A_466 : memref<80x128xf32, #tpu.memory_space<hbm>>) target(%dma_start3A_464 : memref<80x128xf32, #tpu.memory_space<vmem>>) target_semaphore(%dma_start3A_460 : memref<!tpu.dma_semaphore, #tpu.memory_space<semaphore_mem>>)
        %mul3A_467 = arith.constant 80 : i32
        %mul3A_468 = arith.muli %add3A_445, %mul3A_467 : i32
        %add3A_469 = arith.addi %mul3A_2, %mul3A_468 : i32
        %dma_start3A_470 = arith.constant 0 : i32
        %dma_start3A_471 = tpu.memref_slice %arg7[%rem3A_449, %dma_start3A_470] : memref<3x80xi32, #tpu.memory_space<vmem>> -> memref<1x80xi32, #tpu.memory_space<vmem>>
        %dma_start3A_472 = tpu.memref_squeeze %dma_start3A_471 : memref<1x80xi32, #tpu.memory_space<vmem>> -> memref<80xi32, #tpu.memory_space<vmem>>
        %dma_start3A_473 = tpu.memref_slice %arg3[%add3A_469] : memref<320000xi32, #tpu.memory_space<hbm>> -> memref<80xi32, #tpu.memory_space<hbm>>
        %dma_start3A_474 = tpu.memref_slice %arg11[%rem3A_449] : memref<3x!tpu.dma_semaphore, #tpu.memory_space<semaphore_mem>> -> memref<1x!tpu.dma_semaphore, #tpu.memory_space<semaphore_mem>>
        %dma_start3A_475 = tpu.memref_squeeze %dma_start3A_474 : memref<1x!tpu.dma_semaphore, #tpu.memory_space<semaphore_mem>> -> memref<!tpu.dma_semaphore, #tpu.memory_space<semaphore_mem>>
        %dma_start3A_476 = arith.constant 0 : i32
        %dma_start3A_477 = tpu.memref_slice %arg7[%rem3A_449, %dma_start3A_476] : memref<3x80xi32, #tpu.memory_space<vmem>> -> memref<1x80xi32, #tpu.memory_space<vmem>>
        %dma_start3A_478 = tpu.memref_squeeze %dma_start3A_477 : memref<1x80xi32, #tpu.memory_space<vmem>> -> memref<80xi32, #tpu.memory_space<vmem>>
        %dma_start3A_479 = tpu.memref_slice %arg3[%add3A_469] : memref<320000xi32, #tpu.memory_space<hbm>> -> memref<80xi32, #tpu.memory_space<hbm>>
        tpu.enqueue_dma source(%dma_start3A_479 : memref<80xi32, #tpu.memory_space<hbm>>) target(%dma_start3A_478 : memref<80xi32, #tpu.memory_space<vmem>>) target_semaphore(%dma_start3A_475 : memref<!tpu.dma_semaphore, #tpu.memory_space<semaphore_mem>>)
      } else {
      }
      %mul3A_388 = arith.constant 80 : i32
      %mul3A_389 = arith.muli %add3A_378, %mul3A_388 : i32
      %add3A_390 = arith.addi %mul3A_2, %mul3A_389 : i32
      %dma_wait3A_391 = arith.constant 0 : i32
      %dma_wait3A_392 = arith.constant 0 : i32
      %dma_wait3A_393 = tpu.memref_slice %arg6[%rem3A_379, %dma_wait3A_391, %dma_wait3A_392] : memref<3x80x128xf32, #tpu.memory_space<vmem>> -> memref<1x80x128xf32, #tpu.memory_space<vmem>>
      %dma_wait3A_394 = tpu.memref_squeeze %dma_wait3A_393 : memref<1x80x128xf32, #tpu.memory_space<vmem>> -> memref<80x128xf32, #tpu.memory_space<vmem>>
      %dma_wait3A_395 = arith.constant 0 : i32
      %dma_wait3A_396 = tpu.memref_slice %arg2[%add3A_390, %dma_wait3A_395] : memref<320000x128xf32, #tpu.memory_space<hbm>> -> memref<80x128xf32, #tpu.memory_space<hbm>>
      %dma_wait3A_397 = tpu.memref_slice %arg10[%rem3A_379] : memref<3x!tpu.dma_semaphore, #tpu.memory_space<semaphore_mem>> -> memref<1x!tpu.dma_semaphore, #tpu.memory_space<semaphore_mem>>
      %dma_wait3A_398 = tpu.memref_squeeze %dma_wait3A_397 : memref<1x!tpu.dma_semaphore, #tpu.memory_space<semaphore_mem>> -> memref<!tpu.dma_semaphore, #tpu.memory_space<semaphore_mem>>
      %dma_wait3A_399 = arith.constant 0 : i32
      %dma_wait3A_400 = arith.constant 0 : i32
      %dma_wait3A_401 = tpu.memref_slice %arg6[%rem3A_379, %dma_wait3A_399, %dma_wait3A_400] : memref<3x80x128xf32, #tpu.memory_space<vmem>> -> memref<1x80x128xf32, #tpu.memory_space<vmem>>
      %dma_wait3A_402 = tpu.memref_squeeze %dma_wait3A_401 : memref<1x80x128xf32, #tpu.memory_space<vmem>> -> memref<80x128xf32, #tpu.memory_space<vmem>>
      %dma_wait3A_403 = arith.constant 0 : i32
      %dma_wait3A_404 = tpu.memref_slice %arg2[%add3A_390, %dma_wait3A_403] : memref<320000x128xf32, #tpu.memory_space<hbm>> -> memref<80x128xf32, #tpu.memory_space<hbm>>
      tpu.wait_dma2 semaphore(%dma_wait3A_398 : memref<!tpu.dma_semaphore, #tpu.memory_space<semaphore_mem>>) src(%dma_wait3A_404 : memref<80x128xf32, #tpu.memory_space<hbm>>) dst(%dma_wait3A_402 : memref<80x128xf32, #tpu.memory_space<vmem>>)
      %mul3A_405 = arith.constant 80 : i32
      %mul3A_406 = arith.muli %add3A_378, %mul3A_405 : i32
      %add3A_407 = arith.addi %mul3A_2, %mul3A_406 : i32
      %dma_wait3A_408 = arith.constant 0 : i32
      %dma_wait3A_409 = tpu.memref_slice %arg7[%rem3A_379, %dma_wait3A_408] : memref<3x80xi32, #tpu.memory_space<vmem>> -> memref<1x80xi32, #tpu.memory_space<vmem>>
      %dma_wait3A_410 = tpu.memref_squeeze %dma_wait3A_409 : memref<1x80xi32, #tpu.memory_space<vmem>> -> memref<80xi32, #tpu.memory_space<vmem>>
      %dma_wait3A_411 = tpu.memref_slice %arg3[%add3A_407] : memref<320000xi32, #tpu.memory_space<hbm>> -> memref<80xi32, #tpu.memory_space<hbm>>
      %dma_wait3A_412 = tpu.memref_slice %arg11[%rem3A_379] : memref<3x!tpu.dma_semaphore, #tpu.memory_space<semaphore_mem>> -> memref<1x!tpu.dma_semaphore, #tpu.memory_space<semaphore_mem>>
      %dma_wait3A_413 = tpu.memref_squeeze %dma_wait3A_412 : memref<1x!tpu.dma_semaphore, #tpu.memory_space<semaphore_mem>> -> memref<!tpu.dma_semaphore, #tpu.memory_space<semaphore_mem>>
      %dma_wait3A_414 = arith.constant 0 : i32
      %dma_wait3A_415 = tpu.memref_slice %arg7[%rem3A_379, %dma_wait3A_414] : memref<3x80xi32, #tpu.memory_space<vmem>> -> memref<1x80xi32, #tpu.memory_space<vmem>>
      %dma_wait3A_416 = tpu.memref_squeeze %dma_wait3A_415 : memref<1x80xi32, #tpu.memory_space<vmem>> -> memref<80xi32, #tpu.memory_space<vmem>>
      %dma_wait3A_417 = tpu.memref_slice %arg3[%add3A_407] : memref<320000xi32, #tpu.memory_space<hbm>> -> memref<80xi32, #tpu.memory_space<hbm>>
      tpu.wait_dma2 semaphore(%dma_wait3A_413 : memref<!tpu.dma_semaphore, #tpu.memory_space<semaphore_mem>>) src(%dma_wait3A_417 : memref<80xi32, #tpu.memory_space<hbm>>) dst(%dma_wait3A_416 : memref<80xi32, #tpu.memory_space<vmem>>)
      %dma_start3A_418 = arith.constant 0 : i32
      %dma_start3A_419 = arith.constant 0 : i32
      %dma_start3A_420 = tpu.memref_slice %arg6[%rem3A_379, %dma_start3A_418, %dma_start3A_419] : memref<3x80x128xf32, #tpu.memory_space<vmem>> -> memref<1x80x128xf32, #tpu.memory_space<vmem>>
      %dma_start3A_421 = tpu.memref_squeeze %dma_start3A_420 : memref<1x80x128xf32, #tpu.memory_space<vmem>> -> memref<80x128xf32, #tpu.memory_space<vmem>>
      %dma_start3A_422 = arith.constant 0 : i32
      %dma_start3A_423 = tpu.memref_slice %arg7[%rem3A_379, %dma_start3A_422] : memref<3x80xi32, #tpu.memory_space<vmem>> -> memref<1x80xi32, #tpu.memory_space<vmem>>
      %dma_start3A_424 = tpu.memref_squeeze %dma_start3A_423 : memref<1x80xi32, #tpu.memory_space<vmem>> -> memref<80xi32, #tpu.memory_space<vmem>>
      %dma_start3A_425 = arith.constant 0 : i32
      %dma_start3A_426 = arith.constant 0 : i32
      %dma_start3A_427 = tpu.memref_slice %arg9[%dma_start3A_425, %dma_start3A_426] : memref<10240x128xf32, #tpu.memory_space<vmem_shared>> -> memref<10240x128xf32, #tpu.memory_space<vmem_shared>>
      %dma_start3A_428 = tpu.memref_slice %arg12[%rem3A_379] : memref<3x!tpu.dma_semaphore, #tpu.memory_space<semaphore_mem>> -> memref<1x!tpu.dma_semaphore, #tpu.memory_space<semaphore_mem>>
      %dma_start3A_429 = tpu.memref_squeeze %dma_start3A_428 : memref<1x!tpu.dma_semaphore, #tpu.memory_space<semaphore_mem>> -> memref<!tpu.dma_semaphore, #tpu.memory_space<semaphore_mem>>
      tpu.enqueue_indirect_dma source(%dma_start3A_421 : memref<80x128xf32, #tpu.memory_space<vmem>>) target(%dma_start3A_427 : memref<10240x128xf32, #tpu.memory_space<vmem_shared>>) offsets(%dma_start3A_424 : memref<80xi32, #tpu.memory_space<vmem>>) semaphore(%dma_start3A_429 : memref<!tpu.dma_semaphore, #tpu.memory_space<semaphore_mem>>) {add = true}
      %get3A = arith.index_cast %rem3A_379 : i32 to index
      %get3A_430 = arith.constant 0 : index
      %get3A_431 = tpu.vector_load %arg7[%get3A, %get3A_430] {strides = array<i32>} : memref<3x80xi32, #tpu.memory_space<vmem>>, vector<16xi32>,
      tpu.vector_store_idx %arg8[%get3A_431], %broadcast_in_dim3A_348 {add = true} : memref<10240xf32, #tpu.memory_space<vmem>>[vector<16xi32>], vector<16xf32>,
      %get3A_432 = arith.index_cast %rem3A_379 : i32 to index
      %get3A_433 = arith.constant 16 : index
      %get3A_434 = tpu.vector_load %arg7[%get3A_432, %get3A_433] {strides = array<i32>} : memref<3x80xi32, #tpu.memory_space<vmem>>, vector<16xi32>,
      tpu.vector_store_idx %arg8[%get3A_434], %broadcast_in_dim3A_348 {add = true} : memref<10240xf32, #tpu.memory_space<vmem>>[vector<16xi32>], vector<16xf32>,
      %get3A_435 = arith.index_cast %rem3A_379 : i32 to index
      %get3A_436 = arith.constant 32 : index
      %get3A_437 = tpu.vector_load %arg7[%get3A_435, %get3A_436] {strides = array<i32>} : memref<3x80xi32, #tpu.memory_space<vmem>>, vector<16xi32>,
      tpu.vector_store_idx %arg8[%get3A_437], %broadcast_in_dim3A_348 {add = true} : memref<10240xf32, #tpu.memory_space<vmem>>[vector<16xi32>], vector<16xf32>,
      %get3A_438 = arith.index_cast %rem3A_379 : i32 to index
      %get3A_439 = arith.constant 48 : index
      %get3A_440 = tpu.vector_load %arg7[%get3A_438, %get3A_439] {strides = array<i32>} : memref<3x80xi32, #tpu.memory_space<vmem>>, vector<16xi32>,
      tpu.vector_store_idx %arg8[%get3A_440], %broadcast_in_dim3A_348 {add = true} : memref<10240xf32, #tpu.memory_space<vmem>>[vector<16xi32>], vector<16xf32>,
      %get3A_441 = arith.index_cast %rem3A_379 : i32 to index
      %get3A_442 = arith.constant 64 : index
      %get3A_443 = tpu.vector_load %arg7[%get3A_441, %get3A_442] {strides = array<i32>} : memref<3x80xi32, #tpu.memory_space<vmem>>, vector<16xi32>,
      tpu.vector_store_idx %arg8[%get3A_443], %broadcast_in_dim3A_348 {add = true} : memref<10240xf32, #tpu.memory_space<vmem>>[vector<16xi32>], vector<16xf32>,
    }
    %scan3A_353 = arith.constant 125 : i32
    %dma_wait3A_354 = arith.constant 1 : i32
    %dma_wait3A_355 = arith.constant 1 : i32
    %dma_wait3A_356 = arith.constant 1 : i32
    %dma_wait3A_357 = arith.constant 0 : i32
    %dma_wait3A_358 = arith.constant 0 : i32
    %dma_wait3A_359 = tpu.memref_slice %arg6[%dma_wait3A_354, %dma_wait3A_357, %dma_wait3A_358] : memref<3x80x128xf32, #tpu.memory_space<vmem>> -> memref<1x80x128xf32, #tpu.memory_space<vmem>>
    %dma_wait3A_360 = tpu.memref_squeeze %dma_wait3A_359 : memref<1x80x128xf32, #tpu.memory_space<vmem>> -> memref<80x128xf32, #tpu.memory_space<vmem>>
    %dma_wait3A_361 = arith.constant 0 : i32
    %dma_wait3A_362 = tpu.memref_slice %arg7[%dma_wait3A_355, %dma_wait3A_361] : memref<3x80xi32, #tpu.memory_space<vmem>> -> memref<1x80xi32, #tpu.memory_space<vmem>>
    %dma_wait3A_363 = tpu.memref_squeeze %dma_wait3A_362 : memref<1x80xi32, #tpu.memory_space<vmem>> -> memref<80xi32, #tpu.memory_space<vmem>>
    %dma_wait3A_364 = arith.constant 0 : i32
    %dma_wait3A_365 = arith.constant 0 : i32
    %dma_wait3A_366 = tpu.memref_slice %arg9[%dma_wait3A_364, %dma_wait3A_365] : memref<10240x128xf32, #tpu.memory_space<vmem_shared>> -> memref<10240x128xf32, #tpu.memory_space<vmem_shared>>
    %dma_wait3A_367 = tpu.memref_slice %arg12[%dma_wait3A_356] : memref<3x!tpu.dma_semaphore, #tpu.memory_space<semaphore_mem>> -> memref<1x!tpu.dma_semaphore, #tpu.memory_space<semaphore_mem>>
    %dma_wait3A_368 = tpu.memref_squeeze %dma_wait3A_367 : memref<1x!tpu.dma_semaphore, #tpu.memory_space<semaphore_mem>> -> memref<!tpu.dma_semaphore, #tpu.memory_space<semaphore_mem>>
    tpu.wait_indirect_dma semaphore(%dma_wait3A_368 : memref<!tpu.dma_semaphore, #tpu.memory_space<semaphore_mem>>) src(%dma_wait3A_360 : memref<80x128xf32, #tpu.memory_space<vmem>>) dst(%dma_wait3A_366 : memref<10240x128xf32, #tpu.memory_space<vmem_shared>>)
    %barrier3A_369 = arith.constant 0 : index
    tpu.barrier barrier_id(%barrier3A_369)
    %mul3A_370 = arith.constant 640 : i32
    %mul3A_371 = arith.muli %arg1, %mul3A_370 : i32
    %mul3A_372 = arith.constant 640 : i32
    %mul3A_373 = arith.muli %arg1, %mul3A_372 : i32
    "tpu.region"() ({
      %run_scoped3A_374 = tpu.sem_alloc : memref<!tpu.dma_semaphore, #tpu.memory_space<semaphore_mem>>
      %dma_start3A_375 = arith.constant 0 : i32
      %dma_start3A_376 = tpu.memref_slice %arg4[%arg0, %mul3A_373, %dma_start3A_375] : memref<2x10240x128xf32, #tpu.memory_space<hbm>> -> memref<1x640x128xf32, #tpu.memory_space<hbm>>
      %dma_start3A_377 = tpu.memref_squeeze %dma_start3A_376 : memref<1x640x128xf32, #tpu.memory_space<hbm>> -> memref<640x128xf32, #tpu.memory_space<hbm>>
      %dma_start3A_378 = arith.constant 0 : i32
      %dma_start3A_379 = tpu.memref_slice %arg9[%mul3A_371, %dma_start3A_378] : memref<10240x128xf32, #tpu.memory_space<vmem_shared>> -> memref<640x128xf32, #tpu.memory_space<vmem_shared>>
      tpu.enqueue_dma source(%dma_start3A_379 : memref<640x128xf32, #tpu.memory_space<vmem_shared>>) target(%dma_start3A_377 : memref<640x128xf32, #tpu.memory_space<hbm>>) target_semaphore(%run_scoped3A_374 : memref<!tpu.dma_semaphore, #tpu.memory_space<semaphore_mem>>)
      %dma_wait3A_380 = arith.constant 0 : i32
      %dma_wait3A_381 = tpu.memref_slice %arg4[%arg0, %mul3A_373, %dma_wait3A_380] : memref<2x10240x128xf32, #tpu.memory_space<hbm>> -> memref<1x640x128xf32, #tpu.memory_space<hbm>>
      %dma_wait3A_382 = tpu.memref_squeeze %dma_wait3A_381 : memref<1x640x128xf32, #tpu.memory_space<hbm>> -> memref<640x128xf32, #tpu.memory_space<hbm>>
      %dma_wait3A_383 = arith.constant 0 : i32
      %dma_wait3A_384 = tpu.memref_slice %arg9[%mul3A_371, %dma_wait3A_383] : memref<10240x128xf32, #tpu.memory_space<vmem_shared>> -> memref<640x128xf32, #tpu.memory_space<vmem_shared>>
      tpu.wait_dma2 semaphore(%run_scoped3A_374 : memref<!tpu.dma_semaphore, #tpu.memory_space<semaphore_mem>>) src(%dma_wait3A_384 : memref<640x128xf32, #tpu.memory_space<vmem_shared>>) dst(%dma_wait3A_382 : memref<640x128xf32, #tpu.memory_space<hbm>>)
      tpu.yield
    }) : () -> ()
    %run_scoped3A = arith.constant 0 : i32
    "tpu.region"() ({
      %run_scoped3A_374 = tpu.sem_alloc : memref<!tpu.dma_semaphore, #tpu.memory_space<semaphore_mem>>
      %dma_start3A_375 = arith.constant 0 : i32
      %dma_start3A_376 = tpu.memref_slice %arg5[%add3A, %run_scoped3A, %dma_start3A_375] : memref<32x1x10240xf32, #tpu.memory_space<hbm>> -> memref<1x1x10240xf32, #tpu.memory_space<hbm>>
      %dma_start3A_377 = tpu.memref_squeeze %dma_start3A_376 : memref<1x1x10240xf32, #tpu.memory_space<hbm>> -> memref<10240xf32, #tpu.memory_space<hbm>>
      %dma_start3A_378 = arith.constant 0 : i32
      %dma_start3A_379 = tpu.memref_slice %arg5[%add3A, %run_scoped3A, %dma_start3A_378] : memref<32x1x10240xf32, #tpu.memory_space<hbm>> -> memref<1x1x10240xf32, #tpu.memory_space<hbm>>
      %dma_start3A_380 = tpu.memref_squeeze %dma_start3A_379 : memref<1x1x10240xf32, #tpu.memory_space<hbm>> -> memref<10240xf32, #tpu.memory_space<hbm>>
      tpu.enqueue_dma source(%arg8 : memref<10240xf32, #tpu.memory_space<vmem>>) target(%dma_start3A_380 : memref<10240xf32, #tpu.memory_space<hbm>>) target_semaphore(%run_scoped3A_374 : memref<!tpu.dma_semaphore, #tpu.memory_space<semaphore_mem>>)
      %dma_wait3A_381 = arith.constant 0 : i32
      %dma_wait3A_382 = tpu.memref_slice %arg5[%add3A, %run_scoped3A, %dma_wait3A_381] : memref<32x1x10240xf32, #tpu.memory_space<hbm>> -> memref<1x1x10240xf32, #tpu.memory_space<hbm>>
      %dma_wait3A_383 = tpu.memref_squeeze %dma_wait3A_382 : memref<1x1x10240xf32, #tpu.memory_space<hbm>> -> memref<10240xf32, #tpu.memory_space<hbm>>
      %dma_wait3A_384 = arith.constant 0 : i32
      %dma_wait3A_385 = tpu.memref_slice %arg5[%add3A, %run_scoped3A, %dma_wait3A_384] : memref<32x1x10240xf32, #tpu.memory_space<hbm>> -> memref<1x1x10240xf32, #tpu.memory_space<hbm>>
      %dma_wait3A_386 = tpu.memref_squeeze %dma_wait3A_385 : memref<1x1x10240xf32, #tpu.memory_space<hbm>> -> memref<10240xf32, #tpu.memory_space<hbm>>
      tpu.wait_dma2 semaphore(%run_scoped3A_374 : memref<!tpu.dma_semaphore, #tpu.memory_space<semaphore_mem>>) src(%arg8 : memref<10240xf32, #tpu.memory_space<vmem>>) dst(%dma_wait3A_386 : memref<10240xf32, #tpu.memory_space<hbm>>)
      tpu.yield
    }) : () -> ()
    return
  }
}

module attributes {stable_mosaic.version = 14 : i64} {
  func.func @_merge_body(%arg0: i32, %arg1: memref<2x2048x128xf32, #tpu.memory_space<vmem>>, %arg2: memref<32x1x2048xf32, #tpu.memory_space<vmem>>, %arg3: memref<2048x128xf32, #tpu.memory_space<vmem>>) attributes {dimension_semantics = [#tpu.dimension_semantics<arbitrary>], iteration_bounds = array<i64: 5>, scalar_prefetch = 0 : i64, scratch_operands = 0 : i64, tpu.core_type = #tpu.core_type<tc>, window_params = [{transform_indices = @transform_0, window_bounds = array<i64: 2, 2048, 128>}, {transform_indices = @transform_1, window_bounds = array<i64: 32, 1, 2048>}, {transform_indices = @transform_2, window_bounds = array<i64: 2048, 128>}]} {
    %get3A = arith.constant 0 : index
    %get3A_0 = arith.constant 0 : index
    %get3A_1 = arith.constant 0 : index
    %get3A_2 = vector.load %arg1[%get3A, %get3A_0, %get3A_1] : memref<2x2048x128xf32, #tpu.memory_space<vmem>>, vector<1x2048x128xf32>
    %get3A_3 = vector.shape_cast %get3A_2 : vector<1x2048x128xf32> to vector<2048x128xf32>
    %get3A_4 = arith.constant 1 : index
    %get3A_5 = arith.constant 0 : index
    %get3A_6 = arith.constant 0 : index
    %get3A_7 = vector.load %arg1[%get3A_4, %get3A_5, %get3A_6] : memref<2x2048x128xf32, #tpu.memory_space<vmem>>, vector<1x2048x128xf32>
    %get3A_8 = vector.shape_cast %get3A_7 : vector<1x2048x128xf32> to vector<2048x128xf32>
    %add3A = arith.addf %get3A_3, %get3A_8 : vector<2048x128xf32>
    %get3A_9 = arith.constant 0 : index
    %get3A_10 = arith.constant 0 : index
    %get3A_11 = arith.constant 0 : index
    %get3A_12 = vector.load %arg2[%get3A_9, %get3A_10, %get3A_11] : memref<32x1x2048xf32, #tpu.memory_space<vmem>>, vector<32x1x2048xf32>
    %get3A_13 = vector.shape_cast %get3A_12 : vector<32x1x2048xf32> to vector<32x2048xf32>
    %reduce_sum3A = arith.constant dense<0.000000e+00> : vector<2048xf32>
    %reduce_sum3A_14 = vector.multi_reduction <add>, %get3A_13, %reduce_sum3A [0] : vector<32x2048xf32> to vector<2048xf32>
    %max3A = arith.constant 1.000000e+00 : f32
    %max3A_15 = vector.broadcast %max3A : f32 to vector<2048xf32>
    %max3A_16 = arith.maximumf %reduce_sum3A_14, %max3A_15 : vector<2048xf32>
    %broadcast_in_dim3A = vector.shape_cast %max3A_16 : vector<2048xf32> to vector<2048x1xf32>
    %div3A = vector.broadcast %broadcast_in_dim3A : vector<2048x1xf32> to vector<2048x128xf32>
    %div3A_17 = arith.divf %add3A, %div3A : vector<2048x128xf32>
    %swap3A = arith.constant 0 : index
    %swap3A_18 = arith.constant 0 : index
    %swap3A_19 = vector.load %arg3[%swap3A, %swap3A_18] : memref<2048x128xf32, #tpu.memory_space<vmem>>, vector<2048x128xf32>
    tpu.vector_store %arg3[%swap3A, %swap3A_18], %div3A_17 {strides = array<i32>} : memref<2048x128xf32, #tpu.memory_space<vmem>>, vector<2048x128xf32>,
    return
  }
  func.func @transform_0(%arg0: i32) -> (i32, i32, i32) {
    %c0_i32 = arith.constant 0 : i32
    %c0_i32_0 = arith.constant 0 : i32
    %c0_i32_1 = arith.constant 0 : i32
    return %c0_i32, %arg0, %c0_i32_0 : i32, i32, i32
  }
  func.func @transform_1(%arg0: i32) -> (i32, i32, i32) {
    %c0_i32 = arith.constant 0 : i32
    %c0_i32_0 = arith.constant 0 : i32
    %c0_i32_1 = arith.constant 0 : i32
    return %c0_i32, %c0_i32_0, %arg0 : i32, i32, i32
  }
  func.func @transform_2(%arg0: i32) -> (i32, i32) {
    %c0_i32 = arith.constant 0 : i32
    %c0_i32_0 = arith.constant 0 : i32
    return %arg0, %c0_i32 : i32, i32
  }
}

</mosaic_0001>

<sc_bundles>
// kernel: kernel.4.cloned.1.call-start
scs
__scs_entry_jumppad:
0x0: {  	(pc) =	sbr.rel $0x88, $3  }
0x1: {  	(tag) =	ssettag $0x0;
	lr =	simm.s32 $0x1  }
0x2: {  	[smem:$0x3F9F] =	sst lr;
	_ =	strace $0xD0000000  }
0x3: {  	_ = 	snop  }
0x4: {  	_ = 	snop  }
0x5: {  	_ = 	snop  }
0x6: {  	_ = 	snop  }
0x7: {  	_ = 	snop  }
__scs_overlays_trampoline_lowered:
0x8: {  	[smem:$0x3FAE] =	sst s0  }
0x9: {  	[smem:$0x3FAF] =	sst s1  }
0xa: {  	[smem:$0x3FB0] =	sst s2  }
0xb: {  	[smem:$0x3FB1] =	sst s3  }
0xc: {  	[smem:$0x3FB2] =	sst s4  }
0xd: {  	[smem:$0x3FB3] =	sst s5  }
0xe: {  	[smem:$0x3FB4] =	sst s6  }
0xf: {  	[smem:$0x3FB5] =	sst s7  }
0x10: {  	[smem:$0x3FB6] =	sst s8  }
0x11: {  	[smem:$0x3FB7] =	sst s9;
	s0 =	simm.s32 @!p0 $0x0  }
0x12: {  	s1 =	sld [smem:$0x3F9D];
	s0 =	simm.s32 @p0 $0x1  }
0x13: {  	[smem:$0x3FB8] =	sst s0;
	s0 =	simm.s32 @!p1 $0x0  }
0x14: {  	s2 =	sld [smem:$0x3F9C];
	s0 =	simm.s32 @p1 $0x1  }
0x15: {  	[smem:$0x3FB9] =	sst s0;
	s0 =	simm.s32 @!p2 $0x0  }
0x16: {  	s3 =	sld [smem:$0x3FDB];
	s0 =	simm.s32 @p2 $0x1  }
0x17: {  	s4 =	simm.s32 $0x1BF5;
	[smem:$0x3FBB] =	sst s0  }
0x18: {  	s0 =	sld [smem:$0x3F9E];
	_ =	swait.ge [sflag:s4], $0x0  }
0x19: {  	s7 =	sld [smem:$0x3F9F]  }
0x1a: {  	s8 =	sadd.s32 $0xFFFFE003, lr  }
0x1b: {  	s9 =	sadd.s32 $0xFFFFFEF7, lr;
	s5 =	simm.s32 $0xFFFFFFFF;
	p2 =	slt.u32 s8, $0xFFFFF086  }
0x1c: {  	p1 =	slt.u32 s9, $0xF7A;
	s5 =	simm.s32 @!p2 $0x0  }
0x1d: {  	s5 =	simm.s32 @p1 $0x1;
	p0 =	seq.s32 s7, s2  }
0x1e: {  	s7 =	smul.u32 @!p0 $0xF7A, s2;
	p2 =	seq.s32 @!p0 s5, $0x0  }
0x1f: {  	s9 =	smul.u32 $0xF7A, s1;
	s8 =	simm.s32 @!p0 $0x1BF5;
	p2 =	por !p2, p0  }
0x20: {  	[sflag:s8] =	ssyncset.s32 @!p0 $0xFFFFF086;
	s6 =	sadd.s32 @!p0 s3, s7;
	s7 =	simm.s32 @!p0 $0x108  }
0x21: {  	s3 =	sadd.s32 s3, s9;
	s6 =	sadd.s32 @!p0 $0x88, s6;
	s7 =	simm.s32 @p2 $0x1082  }
0x22: {  	[simem:s7], [sflag:s8] =	dma.local @!p0 [hbm:s6], $0xF7A  }
0x23: {  	s9 =	sor.u32 $0xD0000000, s2;
	s6 =	simm.s32 $0x108;
	_ =	swait.ge @!p0 [sflag:s8], $0x0  }
0x24: {  	s3 =	sadd.s32 $0x88, s3;
	s6 =	simm.s32 @!p1 $0x1082;
	[sflag:s4] =	ssyncset.s32 $0xFFFFF086  }
0x25: {  	[simem:s6], [sflag:s4] =	dma.local [hbm:s3], $0xF7A  }
0x26: {  	[smem:$0x3F9F] =	sst s1;
	(tag) =	ssettag s2;
	_ =	strace s9  }
0x27: {  	s1 =	sld [smem:$0x3FAF]  }
0x28: {  	s2 =	sld [smem:$0x3FB0]  }
0x29: {  	s4 =	sld [smem:$0x3FB2]  }
0x2a: {  	p0 =	seq.s32 s5, $0x0;
	s5 =	sld [smem:$0x3FB3]  }
0x2b: {  	s6 =	sld [smem:$0x3FB4]  }
0x2c: {  	s7 =	sld [smem:$0x3FB5]  }
0x2d: {  	s3 =	simm.s32 $0x108;
	s8 =	sld [smem:$0x3FB6]  }
0x2e: {  	s3 =	simm.s32 @!p0 $0x1082;
	s9 =	sld [smem:$0x3FB7]  }
0x2f: {  	lr =	sadd.s32 s0, s3;
	s0 =	sld [smem:$0x3FAE]  }
0x30: {  	s3 =	sld [smem:$0x3FB1]  }
0x31: {  	[smem:$0x3FBA] =	sst s10  }
0x32: {  	s10 =	sld [smem:$0x3FB8];
	_ =	sdelay $0x3  }
0x33: {  	p0 =	seq.s32 s10, $0x1;
	s10 =	sld [smem:$0x3FBA];
	_ =	sdelay $0x3  }
0x34: {  	[smem:$0x3FBA] =	sst s10  }
0x35: {  	s10 =	sld [smem:$0x3FB9];
	_ =	sdelay $0x3  }
0x36: {  	p1 =	seq.s32 s10, $0x1;
	s10 =	sld [smem:$0x3FBA];
	_ =	sdelay $0x3  }
0x37: {  	[smem:$0x3FBA] =	sst s10  }
0x38: {  	s10 =	sld [smem:$0x3FBB]  }
0x39: {  	_ = 	snop;
	(pc) =	sbr.ind lr, $3  }
0x3a: {  	_ = 	snop  }
0x3b: {  	_ = 	snop  }
0x3c: {  	p2 =	seq.s32 s10, $0x1;
	s10 =	sld [smem:$0x3FBA]  }
0x3d: {  	_ =	shalt  }
0x3e: {  	_ =	shalt  }
0x3f: {  	_ =	shalt  }
0x40: {  	_ =	shalt  }
0x41: {  	_ =	shalt  }
0x42: {  	_ =	shalt  }
0x43: {  	_ =	shalt  }
0x44: {  	_ =	shalt  }
0x45: {  	_ =	shalt  }
0x46: {  	_ =	shalt  }
0x47: {  	_ =	shalt  }
0x48: {  	_ =	shalt  }
0x49: {  	_ =	shalt  }
0x4a: {  	_ =	shalt  }
0x4b: {  	_ =	shalt  }
0x4c: {  	_ =	shalt  }
0x4d: {  	_ =	shalt  }
0x4e: {  	_ =	shalt  }
0x4f: {  	_ =	shalt  }
0x50: {  	_ =	shalt  }
0x51: {  	_ =	shalt  }
0x52: {  	_ =	shalt  }
0x53: {  	_ =	shalt  }
0x54: {  	_ =	shalt  }
0x55: {  	_ =	shalt  }
0x56: {  	_ =	shalt  }
0x57: {  	_ =	shalt  }
0x58: {  	_ =	shalt  }
0x59: {  	_ =	shalt  }
0x5a: {  	_ =	shalt  }
0x5b: {  	_ =	shalt  }
0x5c: {  	_ =	shalt  }
0x5d: {  	_ =	shalt  }
0x5e: {  	_ =	shalt  }
0x5f: {  	_ =	shalt  }
0x60: {  	_ =	shalt  }
0x61: {  	_ =	shalt  }
0x62: {  	_ =	shalt  }
0x63: {  	_ =	shalt  }
0x64: {  	_ =	shalt  }
0x65: {  	_ =	shalt  }
0x66: {  	_ =	shalt  }
0x67: {  	_ =	shalt  }
0x68: {  	_ =	shalt  }
0x69: {  	_ =	shalt  }
0x6a: {  	_ =	shalt  }
0x6b: {  	_ =	shalt  }
0x6c: {  	_ =	shalt  }
0x6d: {  	_ =	shalt  }
0x6e: {  	_ =	shalt  }
0x6f: {  	_ =	shalt  }
0x70: {  	_ =	shalt  }
0x71: {  	_ =	shalt  }
0x72: {  	_ =	shalt  }
0x73: {  	_ =	shalt  }
0x74: {  	_ =	shalt  }
0x75: {  	_ =	shalt  }
0x76: {  	_ =	shalt  }
0x77: {  	_ =	shalt  }
0x78: {  	_ =	shalt  }
0x79: {  	_ =	shalt  }
0x7a: {  	_ =	shalt  }
0x7b: {  	_ =	shalt  }
0x7c: {  	_ =	shalt  }
0x7d: {  	_ =	shalt  }
0x7e: {  	_ =	shalt  }
0x7f: {  	_ =	shalt  }
0x80: {  	_ =	shalt  }
0x81: {  	_ =	shalt  }
0x82: {  	_ =	shalt  }
0x83: {  	_ =	shalt  }
0x84: {  	_ =	shalt  }
0x85: {  	_ =	shalt  }
0x86: {  	_ =	shalt  }
0x87: {  	_ =	shalt  }
.Lfunc_end0:
.L_simem_size_0:
called_computation_lowered:
.L_overlay_start_0:
0x88: {  	s2 =	sld [smem:$0x3FD9]  }
0x89: {  	s3 =	sld [smem:$0x3FFE];
	_ =	sdelay $0x1  }
0x8a: {  	s1 =	srdreg.scid  }
0x8b: {  	s0 =	sand.u32 $0x1, s1  }
0x8c: {  	s17 =	sshll.u32 s0, $0xA;
	s2 =	sadd.s32 s3, s2  }
0x8d: {  	s2 =	sadd.s32 s2, s17  }
0x8e: {  	[smem:$0x3FC6] =	sst s2  }
0x8f: {  	_ = 	snop  }
0x90: {  	s2 =	sld [smem:$0x3FC9]  }
0x91: {  	s18 =	sld [smem:$0x3FC8]  }
0x92: {  	s4 =	sld [smem:$0x3FD0];
	(tm) =	ssettm $0x1  }
0x93: {  	s5 =	sld [smem:$0x3FFB];
	_ =	sdelay $0x3  }
0x94: {  	_ =	strace s5  }
0x95: {  	s5 =	sld [smem:$0x3FFC];
	_ =	sdelay $0x3  }
0x96: {  	_ =	strace s5  }
0x97: {  	s5 =	sld [smem:$0x3FFD];
	_ =	sdelay $0x3  }
0x98: {  	_ =	strace s5  }
0x99: {  	_ =	strace $0x8FFFFFFF  }
0x9a: {  	s19 =	sld [smem:$0x3FDB];
	_ =	sdelay $0x1  }
0x9b: {  	s6 =	simm.s32 $_scs_section_size  }
0x9c: {  	s7 =	simm.s32 $_size__tile_overlayer_lowered;
	s8 =	simm.s32 $_tile_overlayer_lowered  }
0x9d: {  	s22 =	simm.s32 $0x1BFF;
	s21 =	sshll.u32 s8, $0x1;
	s5 =	sadd.s32 s6, s19  }
0x9e: {  	s9 =	simm.s32 $0x0;
	s20 =	sshll.u32 s7, $0x1;
	s7 =	sadd.s32 s21, s5  }
0x9f: {  	[timem:s9], [sflag:s22] =	dma.local [hbm:s7], s20  }
0xa0: {  	_ =	swait.ge [sflag:s22], s20  }
0xa1: {  	s6 =	ssub.s32 $0x0, s20;
	[sflag:s22] =	ssyncset.done $0x0  }
0xa2: {  	[sflag:s22] =	ssyncadd.s32 s6;
	_ =	sdelay $0x1  }
0xa3: {  	s23 =	simm.s32 $0x1B8B  }
0xa4: {  	_ =	swait.ge [sflag:s23], $0x1  }
0xa5: {  	[sflag:s23] =	ssyncset.done $0x0  }
0xa6: {  	s25 =	simm.s32 $0x1B8E;
	s24 =	sld [smem:$0x3FFE];
	[sflag:s23] =	ssyncadd.s32 $0xFFFFFFFF  }
0xa7: {  	s26 =	simm.s32 $execute0_lowered;
	[smem:$0x3FD2] =	sst s25  }
0xa8: {  	s7 =	sshll.u32 s26, $0x1;
	_ =	strace $0x80000046;
	[dreg:$0x1] =	wrdreg $0xFFFFFFFF  }
0xa9: {  	s28 =	simm.s32 $_size_execute0_lowered;
	s5 =	sadd.s32 s5, s7;
	[dreg:$0x0] =	wrdreg $0x0  }
0xaa: {  	s7 =	sshll.u32 s28, $0x1;
	[dreg:$0x2] =	wrdreg s5  }
0xab: {  	[dreg:$0x3] =	wrdreg s7  }
0xac: {  	[dreg:$0x4] =	wrdreg $0xC0  }
0xad: {  	_ =	task [dreg:s9], $0x5FFFF  }
0xae: {  	[dreg:$0x1] =	wrdreg $0xFFFFFFFF  }
0xaf: {  	[dreg:$0x0] =	wrdreg $0x60  }
0xb0: {  	[dreg:$0x2] =	wrdreg s2  }
0xb1: {  	[dreg:$0x3] =	wrdreg s18  }
0xb2: {  	[dreg:$0x4] =	wrdreg s24  }
0xb3: {  	[dreg:$0x5] =	wrdreg s4  }
0xb4: {  	[dreg:$0x6] =	wrdreg $0xA2000  }
0xb5: {  	[dreg:$0x7] =	wrdreg $0x9  }
0xb6: {  	_ =	task.clear_ibuf [dreg:s9], $0x8FFFF;
	_ =	strace $0x90000046  }
0xb7: {  	s29 =	simm.s32 $0x9;
	_ =	strace $0x80000048  }
0xb8: {  	_ =	swait.ge [sflag:s29], $0x1  }
0xb9: {  	[sflag:s29] =	ssyncadd.s32 $0xFFFFFFFF  }
0xba: {  	_ =	strace $0x90000048  }
0xbb: {  	_ =	sfence  }
0xbc: {  	s30 =	sld [smem:$0x0];
	_ =	sdelay $0x2  }
0xbd: {  	s31 =	sshll.u32 s1, $0xD;
	s1 =	sshrl.u32 s1, $0x2  }
0xbe: {  	s3 =	sand.u32 $0x4000, s31;
	s1 =	sadd.s32 s1, s30  }
0xbf: {  	s0 =	sor.u32 s3, s0;
	s1 =	sshll.u32 s1, $0x11  }
0xc0: {  	s0 =	sor.u32 s1, s0  }
0xc1: {  	s0 =	sadd.s32 $0x8F2B, s0  }
0xc2: {  	[sflag:s0] =	ssyncadd.remote.s32 $0x1  }
0xc3: {  	_ =	sfence.sel $0xFFFF  }
0xc4: {  	[dreg:$0x0] =	wrdreg $0xFFFFFFFF;
	(pc) =	sbr.abs _section_cstart, $3  }
0xc5: {  	[dreg:$0x1] =	wrdreg $0xFFFFFFFF  }
0xc6: {  	_ =	task.clear_ibuf [dreg:s9], $0x2FFFF;
	_ =	strace $0x9FFFFFFF  }
0xc7: {  	(tm) =	ssettm $0x7FFFFFFF  }
tec
execute0_lowered:
.L_overlay_start_1:
0x0: {  	(tag) =	ssettag $0x1  }
0x1: {  	s0 =	rddreg [dreg:$0x0]  }
0x2: {  	s1 =	rddreg [dreg:$0x1]  }
0x3: {  	s2 =	srdreg.scid;
	s4 =	rddreg [dreg:$0x2]  }
0x4: {  	s24 =	stileid.u32;
	s18 =	rddreg [dreg:$0x3]  }
0x5: {  	s3 =	simm.s32 $0x0;
	s28 =	simm.s32 $0x7A00;
	s6 =	smul.u32 $0x14000, s24  }
0x6: {  	s29 =	simm.s32 $0x8;
	s17 =	sand.u32 $0x1, s2;
	s20 =	smul.u32 $0x50000, s24  }
0x7: {  	s30 =	simm.s32 $0xB;
	s7 =	sshll.u32 s24, $0x1;
	s5 =	smul.u32 $0x140000, s17  }
0x8: {  	s31 =	simm.s32 $0x0;
	s13 =	sor.u32 s17, s7;
	s7 =	smul.u32 $0x27100, s17  }
0x9: {  	s2 =	rddreg [dreg:$0x4];
	s21 =	ssub.s32 $0x2, s17;
	s14 =	smul.u32 $0x2710, s13  }
0xa: {  	[smem:$0x7FF] =	sst s3;
	s22 =	sshrl.u32 s21, $0x1;
	s12 =	smul.u32 $0x27100, s13  }
0xb: {  	s5 =	sadd.s32 s6, s5;
	s6 =	sshrl.u32 s20, $0x2;
	s20 =	smul.u32 $0x500, s13  }
0xc: {  	_ =	strace $0x80000047;
	s19 =	ssub.s32 s21, s22;
	s21 =	smul.u32 $0x4E20, s24  }
0xd: {  	s5 =	sshrl.u32 s5, $0x3;
	s12 =	sadd.s32 s0, s12;
	s15 =	sshrl.u32 s14, $0x3  }
0xe: {  	s14 =	sadd.s32 $0x50, s14;
	s16 =	sadd.s32 s5, s4;
	s4 =	sadd.s32 s6, s2  }
0xf: {  	s13 =	sadd.s32 s1, s15;
	s5 =	sshll.u32 s14, $0x4;
	s22 =	sshrl.u32 s14, $0x3  }
0x10: {  	s6 =	smul.u32 $0x4E200, s24;
	s23 =	sadd.s32 $0x2800, s4;
	s25 =	sadd.s32 $0x5000, s4  }
0x11: {  	s26 =	sadd.s32 $0x7800, s4;
	s8 =	sadd.s32 $0xA000, s4;
	s9 =	sadd.s32 $0xC800, s4  }
0x12: {  	s10 =	sadd.s32 $0xF000, s4;
	s11 =	sadd.s32 $0x11800, s4;
	[dreg:$0x6] =	wrdreg s23  }
0x13: {  	s14 =	sadd.s32 s0, s5;
	[dreg:$0x7] =	wrdreg s25;
	s23 =	smul.u32 $0x2710, s17  }
0x14: {  	s15 =	sadd.s32 s1, s22;
	s16 =	sadd.s32 $0xC00, s16;
	[dreg:$0x8] =	wrdreg s26  }
0x15: {  	s17 =	sadd.s32 s18, s20;
	s0 =	sadd.s32 s6, s0;
	s21 =	sadd.s32 s23, s21  }
0x16: {  	s18 =	smax.u32 s19, $0x1;
	s0 =	sadd.s32 s7, s0;
	s25 =	sadd.s32 $0xA0, s21  }
0x17: {  	s22 =	sadd.s32 $0xA00, s0;
	s21 =	simm.s32 $0x5000;
	s26 =	sshrl.u32 s25, $0x3  }
0x18: {  	v0 =	vimm.f32 $0.0e+00;
	v1 =	vimm.f32 $1.000000000e+00;
	s25 =	simm.s32 $0xA;
	s0 =	sadd.s32 s26, s1;
	s26 =	simm.s32 $0x50  }
.LBB2_1:
0x19: {  	s1 =	simm.s32 $0x0;
	s19 =	simm.s32 $0x200  }
.LBB2_2:
0x1a: {  	p0 =	sne.s32 s19, $0x9E00;
	[tilespmem:s1+$0x5070] =	vst v0  }
0x1b: {  	[tilespmem:s1+$0x5000] =	vst v0  }
0x1c: {  	[tilespmem:s1+$0x5010] =	vst v0  }
.Ltmp0:
0x1d: {  	[tilespmem:s1+$0x5020] =	vst v0;
	(pc) =	sbr.rel @p0 .LBB2_2-.Ltmp0, $4  }
0x1e: {  	[tilespmem:s1+$0x5030] =	vst v0  }
0x1f: {  	[tilespmem:s1+$0x5040] =	vst v0  }
0x20: {  	[tilespmem:s1+$0x5050] =	vst v0  }
0x21: {  	[tilespmem:s1+$0x5060] =	vst v0;
	s1 =	sshra.s32 s19, $0x2;
	s19 =	sadd.s32 $0x200, s19  }
0x22: {  	[tilespmem:s1+$0x5070] =	vst v0  }
0x23: {  	[tilespmem:s1+$0x5000] =	vst v0  }
0x24: {  	[tilespmem:s1+$0x5010] =	vst v0  }
0x25: {  	[tilespmem:s1+$0x5020] =	vst v0  }
0x26: {  	[tilespmem:s1+$0x5030] =	vst v0  }
0x27: {  	[tilespmem:s1+$0x5040] =	vst v0  }
0x28: {  	[tilespmem:s1+$0x5050] =	vst v0  }
0x29: {  	[tilespmem:s1+$0x5060] =	vst v0  }
0x2a: {  	[spmem:s4] =	stream.linear.scatter [tilespmem:s21], [sflag:$0xA], $0x2800, $0x38;
	[tilespmem:$0x1E200] =	vst v63  }
0x2b: {  	s6 =	rddreg [dreg:$0x6]  }
0x2c: {  	[spmem:s6] =	stream.linear.scatter [tilespmem:s21], [sflag:$0xA], $0x2800, $0x38;
	[tilespmem:$0x1E200] =	vst v63  }
0x2d: {  	s7 =	rddreg [dreg:$0x7]  }
0x2e: {  	[spmem:s7] =	stream.linear.scatter [tilespmem:s21], [sflag:$0xA], $0x2800, $0x38;
	[tilespmem:$0x1E200] =	vst v63  }
0x2f: {  	s19 =	rddreg [dreg:$0x8]  }
0x30: {  	[spmem:s19] =	stream.linear.scatter [tilespmem:s21], [sflag:$0xA], $0x2800, $0x38;
	[tilespmem:$0x1E200] =	vst v63  }
0x31: {  	_ = 	snop  }
0x32: {  	[spmem:s8] =	stream.linear.scatter [tilespmem:s21], [sflag:$0xA], $0x2800, $0x38;
	[tilespmem:$0x1E200] =	vst v63  }
0x33: {  	_ = 	snop  }
0x34: {  	[spmem:s9] =	stream.linear.scatter [tilespmem:s21], [sflag:$0xA], $0x2800, $0x38;
	[tilespmem:$0x1E200] =	vst v63  }
0x35: {  	_ = 	snop  }
0x36: {  	[spmem:s10] =	stream.linear.scatter [tilespmem:s21], [sflag:$0xA], $0x2800, $0x38;
	[tilespmem:$0x1E200] =	vst v63  }
0x37: {  	_ = 	snop  }
0x38: {  	[spmem:s11] =	stream.linear.scatter [tilespmem:s21], [sflag:$0xA], $0x2800, $0x38;
	[tilespmem:$0x1E200] =	vst v63  }
0x39: {  	s20 =	simm.s32 $0x0  }
0x3a: {  	[tilespmem:s20], [sflag:$0x1] =	stream.linear.gather [hbm4b:s12+s20], $0x2800, $0x38;
	[tilespmem:$0x1E200] =	vst v63  }
0x3b: {  	s5 =	simm.s32 $0x7800  }
0x3c: {  	[tilespmem:s5], [sflag:$0x4] =	stream.linear.gather [hbm4b:s13+s20], $0x50, $0x38;
	[tilespmem:$0x1E200] =	vst v63  }
0x3d: {  	s23 =	simm.s32 $0x2800  }
0x3e: {  	[tilespmem:s23], [sflag:$0x2] =	stream.linear.gather [hbm4b:s14+s20], $0x2800, $0x38;
	[tilespmem:$0x1E200] =	vst v63  }
0x3f: {  	s24 =	simm.s32 $0x7880;
	s1 =	simm.s32 $0x40;
	s19 =	simm.s32 $0x0  }
0x40: {  	[tilespmem:s24], [sflag:$0x5] =	stream.linear.gather [hbm4b:s15+s20], $0x50, $0x38;
	[tilespmem:$0x1E200] =	vst v63  }
.LBB2_4:
0x41: {  	p0 =	sne.s32 s1, $0x9FC0;
	[tilespmem:s19+$0x7A00] =	vst v0;
	s19 =	smov.u32 s1;
	s1 =	sadd.s32 $0x40, s1  }
.Ltmp1:
0x42: {  	(pc) =	sbr.rel @p0 .LBB2_4-.Ltmp1, $2  }
0x43: {  	_ =	sdelay $0x2  }
0x44: {  	s19 =	sshra.s32 s19, $0x2  }
0x45: {  	[tilespmem:s19+$0x7A00] =	vst v0  }
0x46: {  	_ =	swait.ge [sflag:s25], $0x2800  }
0x47: {  	[sflag:s25] =	ssyncset.done $0x0  }
0x48: {  	[sflag:s25] =	ssyncadd.s32 $0xFFFFD800  }
0x49: {  	_ =	swait.ge [sflag:s25], $0x2800  }
0x4a: {  	[sflag:s25] =	ssyncset.done $0x0  }
0x4b: {  	[sflag:s25] =	ssyncadd.s32 $0xFFFFD800  }
0x4c: {  	_ =	swait.ge [sflag:s25], $0x2800  }
0x4d: {  	[sflag:s25] =	ssyncset.done $0x0  }
0x4e: {  	[sflag:s25] =	ssyncadd.s32 $0xFFFFD800  }
0x4f: {  	_ =	swait.ge [sflag:s25], $0x2800  }
0x50: {  	[sflag:s25] =	ssyncset.done $0x0  }
0x51: {  	[sflag:s25] =	ssyncadd.s32 $0xFFFFD800  }
0x52: {  	_ =	swait.ge [sflag:s25], $0x2800  }
0x53: {  	[sflag:s25] =	ssyncset.done $0x0  }
0x54: {  	[sflag:s25] =	ssyncadd.s32 $0xFFFFD800  }
0x55: {  	_ =	swait.ge [sflag:s25], $0x2800  }
0x56: {  	[sflag:s25] =	ssyncset.done $0x0  }
0x57: {  	[sflag:s25] =	ssyncadd.s32 $0xFFFFD800  }
0x58: {  	_ =	swait.ge [sflag:s25], $0x2800  }
0x59: {  	[sflag:s25] =	ssyncset.done $0x0  }
0x5a: {  	[sflag:s25] =	ssyncadd.s32 $0xFFFFD800  }
0x5b: {  	_ =	swait.ge [sflag:s25], $0x2800  }
0x5c: {  	[sflag:s25] =	ssyncset.done $0x0  }
0x5d: {  	s1 =	simm.s32 $0x0;
	[sflag:s25] =	ssyncadd.s32 $0xFFFFD800  }
0x5e: {  	s20 =	smov.u32 s0;
	s19 =	smov.u32 s22;
	[bflag:$0x0] =	sbarrier.arrive $0xFFFF  }
.LBB2_6:
0x5f: {  	p0 =	seq.s32 s1, $0x0  }
0x60: {  	s23 =	sadd.s32 @!p0 $0xFFFFFFFF, s1  }
0x61: {  	s24 =	sand.u32 @!p0 $0xFF, s23  }
0x62: {  	s24 =	smul.u32 @!p0 $0xAB, s24;
	_ =	sdelay $0x1  }
0x63: {  	s24 =	sshrl.u32 @!p0 s24, $0x9  }
0x64: {  	s24 =	smul.u32 @!p0 $0x3, s24;
	_ =	sdelay $0x1  }
0x65: {  	s23 =	ssub.s32 @!p0 s23, s24  }
0x66: {  	s23 =	sand.u32 @!p0 $0xFF, s23  }
0x67: {  	s23 =	sadd.s32 @!p0 $0x7, s23  }
0x68: {  	p1 =	sgt.u32 @!p0 s1, $0x7A;
	_ =	swait.ge @!p0 [sflag:s23], $0x2800  }
0x69: {  	p1 =	por p0, !p1;
	[sflag:s23] =	ssyncset.done @!p0 $0x0  }
0x6a: {  	[sflag:s23] =	ssyncadd.s32 @!p0 $0xFFFFD800;
	s23 =	sadd.s32 @p1 $0x2, s1  }
0x6b: {  	s24 =	smul.u32 @p1 $0xAB, s23;
	_ =	sdelay $0x1  }
0x6c: {  	s24 =	sshrl.u32 @p1 s24, $0x9  }
0x6d: {  	s24 =	sand.u32 @p1 $0x7F, s24  }
0x6e: {  	s24 =	smul.u32 @p1 $0x3, s24;
	_ =	sdelay $0x1  }
0x6f: {  	s23 =	ssub.s32 @p1 s23, s24  }
0x70: {  	s23 =	sand.u32 @p1 $0xFF, s23  }
0x71: {  	s24 =	smul.u32 @p1 $0xA000, s23;
	_ =	sdelay $0x1  }
0x72: {  	s5 =	sadd.s32 @p1 $0x1, s23;
	s24 =	sshrl.u32 @p1 s24, $0x2  }
0x73: {  	[tilespmem:s24], [sflag:s5] =	stream.linear.gather @p1 [hbm4b:s19+s3], $0x2800, $0x38;
	[tilespmem:$0x1E200] =	vst v63  }
0x74: {  	s5 =	sshll.u32 @p1 s23, $0x7  }
0x75: {  	s23 =	sor.u32 @p1 $0x4, s23;
	s24 =	smul.u32 $0xAB, s1;
	s5 =	sor.u32 @p1 $0x7800, s5  }
0x76: {  	[tilespmem:s5], [sflag:s23] =	stream.linear.gather @p1 [hbm4b:s20+s3], $0x50, $0x38;
	[tilespmem:$0x1E200] =	vst v63  }
0x77: {  	s5 =	sshrl.u32 s24, $0x9  }
0x78: {  	s5 =	sand.u32 $0x7F, s5  }
0x79: {  	s5 =	smul.u32 $0x3, s5;
	_ =	sdelay $0x1  }
0x7a: {  	s5 =	ssub.s32 s1, s5  }
0x7b: {  	s5 =	sand.u32 $0xFF, s5  }
0x7c: {  	s6 =	sadd.s32 $0x1, s5  }
0x7d: {  	_ =	swait.ge [sflag:s6], $0x2800  }
0x7e: {  	[sflag:s6] =	ssyncset.done $0x0  }
0x7f: {  	s7 =	smul.u32 $0xA000, s5;
	s23 =	sadd.s32 $0x4, s5;
	[sflag:s6] =	ssyncadd.s32 $0xFFFFD800  }
0x80: {  	_ =	swait.ge [sflag:s23], $0x50  }
0x81: {  	s24 =	sshrl.u32 s7, $0x2;
	s6 =	sshll.u32 s5, $0x7;
	[sflag:s23] =	ssyncset.done $0x0  }
0x82: {  	s5 =	sadd.s32 $0x7, s5;
	s7 =	sadd.s32 $0x7800, s6;
	[sflag:s23] =	ssyncadd.s32 $0xFFFFFFB0  }
0x83: {  	[spmem:s2] =	stream.indirect.scatter.add.f32 [tilespmem:s24], [sflag:s5], $0x80, s7, s26, $0xb8;
	[tilespmem:$0x1E200] =	vst v63  }
0x84: {  	v2 =	vld [tilespmem:s6+$0x7800];
	_ =	sdelay $0x7  }
0x85: {  	[tilespmem:v2+s28+$0x0] =	vst.idx.add.f32.msk $0xffff, v1  }
0x86: {  	v2 =	vld [tilespmem:s6+$0x7810];
	_ =	sdelay $0x7  }
0x87: {  	[tilespmem:v2+s28+$0x0] =	vst.idx.add.f32.msk $0xffff, v1  }
0x88: {  	v2 =	vld [tilespmem:s6+$0x7820];
	_ =	sdelay $0x7  }
0x89: {  	[tilespmem:v2+s28+$0x0] =	vst.idx.add.f32.msk $0xffff, v1  }
0x8a: {  	v2 =	vld [tilespmem:s6+$0x7830];
	_ =	sdelay $0x7  }
0x8b: {  	[tilespmem:v2+s28+$0x0] =	vst.idx.add.f32.msk $0xffff, v1  }
0x8c: {  	v2 =	vld [tilespmem:s6+$0x7840];
	_ =	sdelay $0x1  }
0x8d: {  	s1 =	sadd.s32 $0x1, s1  }
0x8e: {  	p0 =	sne.s32 s1, $0x7D  }
.Ltmp2:
0x8f: {  	_ = 	snop;
	(pc) =	sbr.rel @p0 .LBB2_6-.Ltmp2, $2  }
0x90: {  	_ =	sdelay $0x2  }
0x91: {  	s19 =	sadd.s32 $0x500, s19;
	s20 =	sadd.s32 $0xA, s20;
	[tilespmem:v2+s28+$0x0] =	vst.idx.add.f32.msk $0xffff, v1  }
0x92: {  	_ =	swait.ge [sflag:s29], $0x2800  }
0x93: {  	s1 =	stileid.u32;
	[sflag:s29] =	ssyncset.done $0x0  }
0x94: {  	s1 =	sshll.u32 s1, $0x6;
	[sflag:s29] =	ssyncadd.s32 $0xFFFFD800  }
0x95: {  	s5 =	sshrl.u32 s4, $0x3;
	s1 =	sor.u32 $0x1C0B, s1;
	[bflag:$0x0] =	sbarrier.arrive $0xFFFF  }
0x96: {  	[hbm:s16], [sflag:s1] =	dma.local [spmem:s5], $0x2800  }
0x97: {  	s31 =	sadd.s32 $0x1, s31;
	_ =	swait.ge [sflag:s30], $0x2800  }
0x98: {  	p0 =	sne.s32 s31, s18;
	[sflag:s30] =	ssyncset.done $0x0  }
.Ltmp3:
0x99: {  	[sflag:s30] =	ssyncadd.s32 $0xFFFFD800;
	(pc) =	sbr.rel @p0 .LBB2_1-.Ltmp3, $4  }
0x9a: {  	[hbm4b:s17+s3] =	stream.linear.scatter [tilespmem:s28], [sflag:$0xB], $0x2800, $0x38;
	[tilespmem:$0x1E200] =	vst v63  }
0x9b: {  	_ =	swait.ge [sflag:s30], $0x2800  }
0x9c: {  	[sflag:s30] =	ssyncset.done $0x0  }
0x9d: {  	[sflag:s30] =	ssyncadd.s32 $0xFFFFD800  }
0x9e: {  	_ =	sfence.sel $0x180000  }
0x9f: {  	[bflag:$0x0] =	sbarrier.arrive $0xFFFF  }
0xa0: {  	_ =	strace $0x90000047  }
0xa1: {  	s0 =	stileid.u32;
	[bflag:$0x2] =	sbarrier.arrive $0xFFFF  }
0xa2: {  	p0 =	sne.s32 s0, $0x0;
	s0 =	rddreg [dreg:$0x5]  }
0xa3: {  	s0 =	sadd.s32 @!p0 $0x100000, s0  }
0xa4: {  	[sflag:s0] =	ssyncadd.tile.s32 @!p0 $0x1;
	_ =	shalt  }
.Lfunc_end2:
_tile_overlayer_lowered:
.L_overlay_start_2:
0xa5: {  	(tag) =	ssettag $0x2  }
0xa6: {  	s0 =	rddreg [dreg:$0x0];
	s2 =	stileid.u32  }
0xa7: {  	s1 =	rddreg [dreg:$0x1];
	p0 =	sne.s32 s2, $0x0  }
0xa8: {  	s3 =	rddreg [dreg:$0x2];
	[bflag:$0x3] =	sbarrier.arrive $0xFFFF;
	s2 =	simm.s32 @!p0 $0x1C0B  }
0xa9: {  	[timem:s3], [sflag:s2] =	dma.local @!p0 [hbm:s0], s1  }
0xaa: {  	s0 =	simm.s32 @!p0 $0xB  }
0xab: {  	_ =	swait.ge @!p0 [sflag:s0], s1  }
0xac: {  	s1 =	ssub.s32 @!p0 $0x0, s1;
	[sflag:s0] =	ssyncset.done @!p0 $0x0  }
0xad: {  	[sflag:s0] =	ssyncadd.s32 @!p0 s1  }
0xae: {  	[bflag:$0x3] =	sbarrier.arrive $0xFFFF  }
0xaf: {  	_ =	shalt  }

</sc_bundles>
